<compile_context>
chip_gen: v7x
topology: tpu7x:2x2x1
jax: 0.10.2.dev20260603
libtpu: 0.0.44.dev20260713+nightly
codegen_flags: <defaults>
</compile_context>

<pallas_src>
import functools

import jax
import jax.numpy as jnp
from jax import lax
from jax.experimental import pallas as pl
from jax.experimental.pallas import tpu as pltpu
from jax.experimental.pallas import tpu_sc as plsc

K = 16
OB = 4
RBC = 16


def _make_sc_call(n_rows: int):
    info = plsc.get_sparse_core_info()
    nw = info.num_cores * info.num_subcores
    nb = n_rows // 128
    rb_w = nb // nw
    assert rb_w * nw == nb and rb_w % RBC == 0
    nchunk = rb_w // RBC

    mesh = plsc.VectorSubcoreMesh(core_axis_name="c", subcore_axis_name="s")

    @functools.partial(
        pl.kernel,
        out_type=jax.ShapeDtypeStruct((nb, OB, 128), jnp.float32),
        mesh=mesh,
        scratch_types=[
            pltpu.VMEM((2, RBC, 8, 128), jnp.float32),
            pltpu.VMEM((2, RBC, 8, 128), jnp.float32),
            pltpu.VMEM((RBC, OB, 128), jnp.float32),
            pltpu.VMEM((RBC, OB, 128), jnp.float32),
            pltpu.VMEM((K, OB), jnp.float32),
            pltpu.SemaphoreType.DMA,
            pltpu.SemaphoreType.DMA,
            pltpu.SemaphoreType.DMA,
            pltpu.SemaphoreType.DMA,
        ],
        compiler_params=pltpu.CompilerParams(
            needs_layout_passes=False, use_tc_tiling_on_sc=False),
    )
    def sc_kernel(x_hbm, b_hbm, out_hbm, in0, in1, out0, out1, bv,
                  isem0, isem1, osem0, osem1):
        wid = lax.axis_index("s") * info.num_cores + lax.axis_index("c")
        rb0 = wid * rb_w

        inbufs, insems = (in0, in1), (isem0, isem1)
        outbufs, outsems = (out0, out1), (osem0, osem1)

        pltpu.sync_copy(b_hbm, bv)

        def copy_in(ci, buf, sem):
            start = rb0 + ci * RBC
            h0 = pltpu.async_copy(
                x_hbm.at[0, pl.ds(start, RBC)], buf.at[0], sem)
            h1 = pltpu.async_copy(
                x_hbm.at[1, pl.ds(start, RBC)], buf.at[1], sem)
            return (h0, h1)

        def copy_out(ci, buf, sem):
            return pltpu.async_copy(
                buf, out_hbm.at[pl.ds(rb0 + ci * RBC, RBC)], sem)

        col_consts = [jnp.full((K,), c, jnp.int32) for c in range(K)]

        def compute(in_ref, out_ref):
            @plsc.parallel_loop(0, RBC * 8, 1, unroll=2)
            def _grp(g):
                rbl = g >> 3
                sl = pl.ds((g & 7) * 16, 16)
                ms = [in_ref[c // 8, rbl, c % 8, sl] for c in range(K)]
                ixs = col_consts
                while len(ms) > 1:
                    nm, ni = [], []
                    for a in range(0, len(ms), 2):
                        pred = ms[a + 1] > ms[a]
                        nm.append(jnp.where(pred, ms[a + 1], ms[a]))
                        ni.append(jnp.where(pred, ixs[a + 1], ixs[a]))
                    ms, ixs = nm, ni
                idxv = ixs[0]
                for j in range(OB):
                    out_ref[rbl, j, sl] = plsc.load_gather(
                        bv, [idxv, col_consts[j]])

        def wait_in(b):
            for half in range(2):
                pltpu.make_async_copy(
                    x_hbm.at[half, pl.ds(0, RBC)], inbufs[b].at[half],
                    insems[b]).wait()

        def wait_out(b):
            pltpu.make_async_copy(
                outbufs[b], out_hbm.at[pl.ds(0, RBC)], outsems[b]).wait()

        assert nchunk % 2 == 0
        copy_in(0, in0, isem0)
        copy_in(1, in1, isem1)

        @pl.loop(0, nchunk // 2)
        def _ring(i):
            for b in range(2):
                ci = i * 2 + b
                wait_in(b)
                pl.when(ci >= 2)(lambda: wait_out(b))
                compute(inbufs[b], outbufs[b])
                copy_out(ci, outbufs[b], outsems[b])
                pl.when(ci + 2 < nchunk)(
                    lambda: (copy_in(ci + 2, inbufs[b], insems[b]), None)[1])

        for b in range(2):
            wait_out(b)

    return sc_kernel


@jax.jit
def kernel(decimal_tensor, B):
    n = decimal_tensor.shape[0]
    nb = n // 128
    x4 = decimal_tensor.reshape(nb, 128, 2, 8).transpose(2, 0, 3, 1)
    out4 = _make_sc_call(n)(x4, B)
    return out4.transpose(0, 2, 1).reshape(n, 1, OB)

# --- scband reference (transcript-rebuilt; emitter-appended) ---
"""Pipeline reference for scband-decimalto-binary-23596550324318 (READ-ONLY COPY).

The authoritative reference and input builder live on the scoring server;
editing this copy changes nothing except your own understanding.
"""

import jax, jax.numpy as jnp
import numpy as np

_B_ROWS = [[0, 0, 0, 0], [1, 1, 1, 0], [0, 0, 0, 1], [0, 0, 1, 0], [0, 0, 1, 1], [0, 1, 0, 0], [0, 1, 0, 1], [0, 1, 1, 0], [0, 1, 1, 1], [1, 0, 0, 0], [1, 0, 0, 1], [1, 0, 1, 0], [1, 0, 1, 1], [1, 1, 0, 0], [1, 1, 0, 1], [1, 1, 1, 1]]


def setup_inputs(seed: int = 0) -> dict:
    key = jax.random.key(seed)
    k1, _ = jax.random.split(key)
    decimal_tensor = jax.random.normal(k1, (1048576, 16), dtype=jnp.float32)
    B = jnp.array(_B_ROWS, dtype=jnp.float32)
    return {"decimal_tensor": decimal_tensor, "B": B}


def reference(decimal_tensor, B):
    # decimal_tensor: [N, 16] -> unsqueeze(1) -> [N, 1, 16]
    x = decimal_tensor[:, None, :]
    # argmax over dim 2 -> [N, 1]
    idx = jnp.argmax(x, axis=2)
    # lookup table gather: B[idx] -> [N, 1, 4]
    binary_output = jnp.take(B, idx, axis=0)
    return binary_output

if __name__ == "__main__":
    import jax
    _d = setup_inputs()
    print(jax.jit(kernel)(*tuple(_d.values())))

</pallas_src>

<mosaic_0001>
#map = affine_map<(d0, d1) -> (0, 0, 0, 0)>
#map1 = affine_map<(d0, d1) -> (0, 0)>
#map2 = affine_map<(d0, d1) -> (0, 0, 0)>
module attributes {stable_mosaic.version = 14 : i64} {
  func.func @sc_kernel(%arg0: i32, %arg1: i32, %arg2: memref<2x8192x8x128xf32, #tpu.memory_space<hbm>>, %arg3: memref<16x4xf32, #tpu.memory_space<hbm>>, %arg4: memref<8192x4x128xf32, #tpu.memory_space<hbm>>, %arg5: memref<2x16x8x128xf32, #tpu.memory_space<vmem>>, %arg6: memref<2x16x8x128xf32, #tpu.memory_space<vmem>>, %arg7: memref<16x4x128xf32, #tpu.memory_space<vmem>>, %arg8: memref<16x4x128xf32, #tpu.memory_space<vmem>>, %arg9: memref<16x4xf32, #tpu.memory_space<vmem>>, %arg10: memref<!tpu.dma_semaphore, #tpu.memory_space<semaphore_mem>>, %arg11: memref<!tpu.dma_semaphore, #tpu.memory_space<semaphore_mem>>, %arg12: memref<!tpu.dma_semaphore, #tpu.memory_space<semaphore_mem>>, %arg13: memref<!tpu.dma_semaphore, #tpu.memory_space<semaphore_mem>>) attributes {dimension_semantics = [#tpu.dimension_semantics<core_parallel>, #tpu.dimension_semantics<subcore_parallel>], iteration_bounds = array<i64: 2, 16>, scalar_prefetch = 0 : i64, scratch_operands = 9 : i64, tpu.core_type = #tpu.core_type<sc_vector_subcore>, window_params = [{transform_indices = #map}, {transform_indices = #map1}, {transform_indices = #map2}]} {
    %mul3A = arith.constant 2 : i32
    %mul3A_0 = arith.muli %arg1, %mul3A : i32
    %add3A = arith.addi %mul3A_0, %arg0 : i32
    %mul3A_1 = arith.constant 256 : i32
    %mul3A_2 = arith.muli %add3A, %mul3A_1 : i32
    "tpu.region"() ({
      %run_scoped3A = tpu.sem_alloc : memref<!tpu.dma_semaphore, #tpu.memory_space<semaphore_mem>>
      tpu.enqueue_dma source(%arg3 : memref<16x4xf32, #tpu.memory_space<hbm>>) target(%arg9 : memref<16x4xf32, #tpu.memory_space<vmem>>) target_semaphore(%run_scoped3A : memref<!tpu.dma_semaphore, #tpu.memory_space<semaphore_mem>>)
      tpu.wait_dma2 semaphore(%run_scoped3A : memref<!tpu.dma_semaphore, #tpu.memory_space<semaphore_mem>>) src(%arg3 : memref<16x4xf32, #tpu.memory_space<hbm>>) dst(%arg9 : memref<16x4xf32, #tpu.memory_space<vmem>>)
      tpu.yield
    }) : () -> ()
    %broadcast_in_dim3A = arith.constant 0 : i32
    %broadcast_in_dim3A_3 = vector.broadcast %broadcast_in_dim3A : i32 to vector<16xi32>
    %broadcast_in_dim3A_4 = arith.constant 1 : i32
    %broadcast_in_dim3A_5 = vector.broadcast %broadcast_in_dim3A_4 : i32 to vector<16xi32>
    %broadcast_in_dim3A_6 = arith.constant 2 : i32
    %broadcast_in_dim3A_7 = vector.broadcast %broadcast_in_dim3A_6 : i32 to vector<16xi32>
    %broadcast_in_dim3A_8 = arith.constant 3 : i32
    %broadcast_in_dim3A_9 = vector.broadcast %broadcast_in_dim3A_8 : i32 to vector<16xi32>
    %broadcast_in_dim3A_10 = arith.constant 4 : i32
    %broadcast_in_dim3A_11 = vector.broadcast %broadcast_in_dim3A_10 : i32 to vector<16xi32>
    %broadcast_in_dim3A_12 = arith.constant 5 : i32
    %broadcast_in_dim3A_13 = vector.broadcast %broadcast_in_dim3A_12 : i32 to vector<16xi32>
    %broadcast_in_dim3A_14 = arith.constant 6 : i32
    %broadcast_in_dim3A_15 = vector.broadcast %broadcast_in_dim3A_14 : i32 to vector<16xi32>
    %broadcast_in_dim3A_16 = arith.constant 7 : i32
    %broadcast_in_dim3A_17 = vector.broadcast %broadcast_in_dim3A_16 : i32 to vector<16xi32>
    %broadcast_in_dim3A_18 = arith.constant 8 : i32
    %broadcast_in_dim3A_19 = vector.broadcast %broadcast_in_dim3A_18 : i32 to vector<16xi32>
    %broadcast_in_dim3A_20 = arith.constant 9 : i32
    %broadcast_in_dim3A_21 = vector.broadcast %broadcast_in_dim3A_20 : i32 to vector<16xi32>
    %broadcast_in_dim3A_22 = arith.constant 10 : i32
    %broadcast_in_dim3A_23 = vector.broadcast %broadcast_in_dim3A_22 : i32 to vector<16xi32>
    %broadcast_in_dim3A_24 = arith.constant 11 : i32
    %broadcast_in_dim3A_25 = vector.broadcast %broadcast_in_dim3A_24 : i32 to vector<16xi32>
    %broadcast_in_dim3A_26 = arith.constant 12 : i32
    %broadcast_in_dim3A_27 = vector.broadcast %broadcast_in_dim3A_26 : i32 to vector<16xi32>
    %broadcast_in_dim3A_28 = arith.constant 13 : i32
    %broadcast_in_dim3A_29 = vector.broadcast %broadcast_in_dim3A_28 : i32 to vector<16xi32>
    %broadcast_in_dim3A_30 = arith.constant 14 : i32
    %broadcast_in_dim3A_31 = vector.broadcast %broadcast_in_dim3A_30 : i32 to vector<16xi32>
    %broadcast_in_dim3A_32 = arith.constant 15 : i32
    %broadcast_in_dim3A_33 = vector.broadcast %broadcast_in_dim3A_32 : i32 to vector<16xi32>
    %add3A_34 = arith.constant 0 : i32
    %add3A_35 = arith.addi %mul3A_2, %add3A_34 : i32
    %dma_start3A = arith.constant 0 : i32
    %dma_start3A_36 = arith.constant 0 : i32
    %dma_start3A_37 = arith.constant 0 : i32
    %dma_start3A_38 = arith.constant 0 : i32
    %dma_start3A_39 = arith.constant 0 : i32
    %dma_start3A_40 = tpu.memref_slice %arg5[%dma_start3A_36, %dma_start3A_37, %dma_start3A_38, %dma_start3A_39] : memref<2x16x8x128xf32, #tpu.memory_space<vmem>> -> memref<1x16x8x128xf32, #tpu.memory_space<vmem>>
    %dma_start3A_41 = tpu.memref_squeeze %dma_start3A_40 : memref<1x16x8x128xf32, #tpu.memory_space<vmem>> -> memref<16x8x128xf32, #tpu.memory_space<vmem>>
    %dma_start3A_42 = arith.constant 0 : i32
    %dma_start3A_43 = arith.constant 0 : i32
    %dma_start3A_44 = tpu.memref_slice %arg2[%dma_start3A, %add3A_35, %dma_start3A_42, %dma_start3A_43] : memref<2x8192x8x128xf32, #tpu.memory_space<hbm>> -> memref<1x16x8x128xf32, #tpu.memory_space<hbm>>
    %dma_start3A_45 = tpu.memref_squeeze %dma_start3A_44 : memref<1x16x8x128xf32, #tpu.memory_space<hbm>> -> memref<16x8x128xf32, #tpu.memory_space<hbm>>
    %dma_start3A_46 = arith.constant 0 : i32
    %dma_start3A_47 = arith.constant 0 : i32
    %dma_start3A_48 = arith.constant 0 : i32
    %dma_start3A_49 = tpu.memref_slice %arg5[%dma_start3A_36, %dma_start3A_46, %dma_start3A_47, %dma_start3A_48] : memref<2x16x8x128xf32, #tpu.memory_space<vmem>> -> memref<1x16x8x128xf32, #tpu.memory_space<vmem>>
    %dma_start3A_50 = tpu.memref_squeeze %dma_start3A_49 : memref<1x16x8x128xf32, #tpu.memory_space<vmem>> -> memref<16x8x128xf32, #tpu.memory_space<vmem>>
    %dma_start3A_51 = arith.constant 0 : i32
    %dma_start3A_52 = arith.constant 0 : i32
    %dma_start3A_53 = tpu.memref_slice %arg2[%dma_start3A, %add3A_35, %dma_start3A_51, %dma_start3A_52] : memref<2x8192x8x128xf32, #tpu.memory_space<hbm>> -> memref<1x16x8x128xf32, #tpu.memory_space<hbm>>
    %dma_start3A_54 = tpu.memref_squeeze %dma_start3A_53 : memref<1x16x8x128xf32, #tpu.memory_space<hbm>> -> memref<16x8x128xf32, #tpu.memory_space<hbm>>
    tpu.enqueue_dma source(%dma_start3A_54 : memref<16x8x128xf32, #tpu.memory_space<hbm>>) target(%dma_start3A_50 : memref<16x8x128xf32, #tpu.memory_space<vmem>>) target_semaphore(%arg10 : memref<!tpu.dma_semaphore, #tpu.memory_space<semaphore_mem>>)
    %dma_start3A_55 = arith.constant 1 : i32
    %dma_start3A_56 = arith.constant 1 : i32
    %dma_start3A_57 = arith.constant 0 : i32
    %dma_start3A_58 = arith.constant 0 : i32
    %dma_start3A_59 = arith.constant 0 : i32
    %dma_start3A_60 = tpu.memref_slice %arg5[%dma_start3A_56, %dma_start3A_57, %dma_start3A_58, %dma_start3A_59] : memref<2x16x8x128xf32, #tpu.memory_space<vmem>> -> memref<1x16x8x128xf32, #tpu.memory_space<vmem>>
    %dma_start3A_61 = tpu.memref_squeeze %dma_start3A_60 : memref<1x16x8x128xf32, #tpu.memory_space<vmem>> -> memref<16x8x128xf32, #tpu.memory_space<vmem>>
    %dma_start3A_62 = arith.constant 0 : i32
    %dma_start3A_63 = arith.constant 0 : i32
    %dma_start3A_64 = tpu.memref_slice %arg2[%dma_start3A_55, %add3A_35, %dma_start3A_62, %dma_start3A_63] : memref<2x8192x8x128xf32, #tpu.memory_space<hbm>> -> memref<1x16x8x128xf32, #tpu.memory_space<hbm>>
    %dma_start3A_65 = tpu.memref_squeeze %dma_start3A_64 : memref<1x16x8x128xf32, #tpu.memory_space<hbm>> -> memref<16x8x128xf32, #tpu.memory_space<hbm>>
    %dma_start3A_66 = arith.constant 0 : i32
    %dma_start3A_67 = arith.constant 0 : i32
    %dma_start3A_68 = arith.constant 0 : i32
    %dma_start3A_69 = tpu.memref_slice %arg5[%dma_start3A_56, %dma_start3A_66, %dma_start3A_67, %dma_start3A_68] : memref<2x16x8x128xf32, #tpu.memory_space<vmem>> -> memref<1x16x8x128xf32, #tpu.memory_space<vmem>>
    %dma_start3A_70 = tpu.memref_squeeze %dma_start3A_69 : memref<1x16x8x128xf32, #tpu.memory_space<vmem>> -> memref<16x8x128xf32, #tpu.memory_space<vmem>>
    %dma_start3A_71 = arith.constant 0 : i32
    %dma_start3A_72 = arith.constant 0 : i32
    %dma_start3A_73 = tpu.memref_slice %arg2[%dma_start3A_55, %add3A_35, %dma_start3A_71, %dma_start3A_72] : memref<2x8192x8x128xf32, #tpu.memory_space<hbm>> -> memref<1x16x8x128xf32, #tpu.memory_space<hbm>>
    %dma_start3A_74 = tpu.memref_squeeze %dma_start3A_73 : memref<1x16x8x128xf32, #tpu.memory_space<hbm>> -> memref<16x8x128xf32, #tpu.memory_space<hbm>>
    tpu.enqueue_dma source(%dma_start3A_74 : memref<16x8x128xf32, #tpu.memory_space<hbm>>) target(%dma_start3A_70 : memref<16x8x128xf32, #tpu.memory_space<vmem>>) target_semaphore(%arg10 : memref<!tpu.dma_semaphore, #tpu.memory_space<semaphore_mem>>)
    %add3A_75 = arith.constant 16 : i32
    %add3A_76 = arith.addi %mul3A_2, %add3A_75 : i32
    %dma_start3A_77 = arith.constant 0 : i32
    %dma_start3A_78 = arith.constant 0 : i32
    %dma_start3A_79 = arith.constant 0 : i32
    %dma_start3A_80 = arith.constant 0 : i32
    %dma_start3A_81 = arith.constant 0 : i32
    %dma_start3A_82 = tpu.memref_slice %arg6[%dma_start3A_78, %dma_start3A_79, %dma_start3A_80, %dma_start3A_81] : memref<2x16x8x128xf32, #tpu.memory_space<vmem>> -> memref<1x16x8x128xf32, #tpu.memory_space<vmem>>
    %dma_start3A_83 = tpu.memref_squeeze %dma_start3A_82 : memref<1x16x8x128xf32, #tpu.memory_space<vmem>> -> memref<16x8x128xf32, #tpu.memory_space<vmem>>
    %dma_start3A_84 = arith.constant 0 : i32
    %dma_start3A_85 = arith.constant 0 : i32
    %dma_start3A_86 = tpu.memref_slice %arg2[%dma_start3A_77, %add3A_76, %dma_start3A_84, %dma_start3A_85] : memref<2x8192x8x128xf32, #tpu.memory_space<hbm>> -> memref<1x16x8x128xf32, #tpu.memory_space<hbm>>
    %dma_start3A_87 = tpu.memref_squeeze %dma_start3A_86 : memref<1x16x8x128xf32, #tpu.memory_space<hbm>> -> memref<16x8x128xf32, #tpu.memory_space<hbm>>
    %dma_start3A_88 = arith.constant 0 : i32
    %dma_start3A_89 = arith.constant 0 : i32
    %dma_start3A_90 = arith.constant 0 : i32
    %dma_start3A_91 = tpu.memref_slice %arg6[%dma_start3A_78, %dma_start3A_88, %dma_start3A_89, %dma_start3A_90] : memref<2x16x8x128xf32, #tpu.memory_space<vmem>> -> memref<1x16x8x128xf32, #tpu.memory_space<vmem>>
    %dma_start3A_92 = tpu.memref_squeeze %dma_start3A_91 : memref<1x16x8x128xf32, #tpu.memory_space<vmem>> -> memref<16x8x128xf32, #tpu.memory_space<vmem>>
    %dma_start3A_93 = arith.constant 0 : i32
    %dma_start3A_94 = arith.constant 0 : i32
    %dma_start3A_95 = tpu.memref_slice %arg2[%dma_start3A_77, %add3A_76, %dma_start3A_93, %dma_start3A_94] : memref<2x8192x8x128xf32, #tpu.memory_space<hbm>> -> memref<1x16x8x128xf32, #tpu.memory_space<hbm>>
    %dma_start3A_96 = tpu.memref_squeeze %dma_start3A_95 : memref<1x16x8x128xf32, #tpu.memory_space<hbm>> -> memref<16x8x128xf32, #tpu.memory_space<hbm>>
    tpu.enqueue_dma source(%dma_start3A_96 : memref<16x8x128xf32, #tpu.memory_space<hbm>>) target(%dma_start3A_92 : memref<16x8x128xf32, #tpu.memory_space<vmem>>) target_semaphore(%arg11 : memref<!tpu.dma_semaphore, #tpu.memory_space<semaphore_mem>>)
    %dma_start3A_97 = arith.constant 1 : i32
    %dma_start3A_98 = arith.constant 1 : i32
    %dma_start3A_99 = arith.constant 0 : i32
    %dma_start3A_100 = arith.constant 0 : i32
    %dma_start3A_101 = arith.constant 0 : i32
    %dma_start3A_102 = tpu.memref_slice %arg6[%dma_start3A_98, %dma_start3A_99, %dma_start3A_100, %dma_start3A_101] : memref<2x16x8x128xf32, #tpu.memory_space<vmem>> -> memref<1x16x8x128xf32, #tpu.memory_space<vmem>>
    %dma_start3A_103 = tpu.memref_squeeze %dma_start3A_102 : memref<1x16x8x128xf32, #tpu.memory_space<vmem>> -> memref<16x8x128xf32, #tpu.memory_space<vmem>>
    %dma_start3A_104 = arith.constant 0 : i32
    %dma_start3A_105 = arith.constant 0 : i32
    %dma_start3A_106 = tpu.memref_slice %arg2[%dma_start3A_97, %add3A_76, %dma_start3A_104, %dma_start3A_105] : memref<2x8192x8x128xf32, #tpu.memory_space<hbm>> -> memref<1x16x8x128xf32, #tpu.memory_space<hbm>>
    %dma_start3A_107 = tpu.memref_squeeze %dma_start3A_106 : memref<1x16x8x128xf32, #tpu.memory_space<hbm>> -> memref<16x8x128xf32, #tpu.memory_space<hbm>>
    %dma_start3A_108 = arith.constant 0 : i32
    %dma_start3A_109 = arith.constant 0 : i32
    %dma_start3A_110 = arith.constant 0 : i32
    %dma_start3A_111 = tpu.memref_slice %arg6[%dma_start3A_98, %dma_start3A_108, %dma_start3A_109, %dma_start3A_110] : memref<2x16x8x128xf32, #tpu.memory_space<vmem>> -> memref<1x16x8x128xf32, #tpu.memory_space<vmem>>
    %dma_start3A_112 = tpu.memref_squeeze %dma_start3A_111 : memref<1x16x8x128xf32, #tpu.memory_space<vmem>> -> memref<16x8x128xf32, #tpu.memory_space<vmem>>
    %dma_start3A_113 = arith.constant 0 : i32
    %dma_start3A_114 = arith.constant 0 : i32
    %dma_start3A_115 = tpu.memref_slice %arg2[%dma_start3A_97, %add3A_76, %dma_start3A_113, %dma_start3A_114] : memref<2x8192x8x128xf32, #tpu.memory_space<hbm>> -> memref<1x16x8x128xf32, #tpu.memory_space<hbm>>
    %dma_start3A_116 = tpu.memref_squeeze %dma_start3A_115 : memref<1x16x8x128xf32, #tpu.memory_space<hbm>> -> memref<16x8x128xf32, #tpu.memory_space<hbm>>
    tpu.enqueue_dma source(%dma_start3A_116 : memref<16x8x128xf32, #tpu.memory_space<hbm>>) target(%dma_start3A_112 : memref<16x8x128xf32, #tpu.memory_space<vmem>>) target_semaphore(%arg11 : memref<!tpu.dma_semaphore, #tpu.memory_space<semaphore_mem>>)
    %scan3A = arith.constant 0 : i32
    %scan3A_117 = arith.constant 8 : i32
    %scan3A_118 = arith.addi %scan3A, %scan3A_117 : i32
    %scan3A_119 = arith.constant 1 : i32
    scf.for %scan3A_136 = %scan3A to %scan3A_118 step %scan3A_119  : i32 {
      %mul3A_137 = arith.constant 1 : i32
      %mul3A_138 = arith.muli %scan3A_136, %mul3A_137 : i32
      %add3A_139 = arith.constant 0 : i32
      %add3A_140 = arith.addi %add3A_139, %mul3A_138 : i32
      %mul3A_141 = arith.constant 2 : i32
      %mul3A_142 = arith.muli %add3A_140, %mul3A_141 : i32
      %add3A_143 = arith.constant 0 : i32
      %add3A_144 = arith.addi %mul3A_142, %add3A_143 : i32
      %dma_wait3A_145 = arith.constant 0 : i32
      %dma_wait3A_146 = arith.constant 0 : i32
      %dma_wait3A_147 = arith.constant 0 : i32
      %dma_wait3A_148 = arith.constant 0 : i32
      %dma_wait3A_149 = arith.constant 0 : i32
      %dma_wait3A_150 = tpu.memref_slice %arg5[%dma_wait3A_146, %dma_wait3A_147, %dma_wait3A_148, %dma_wait3A_149] : memref<2x16x8x128xf32, #tpu.memory_space<vmem>> -> memref<1x16x8x128xf32, #tpu.memory_space<vmem>>
      %dma_wait3A_151 = tpu.memref_squeeze %dma_wait3A_150 : memref<1x16x8x128xf32, #tpu.memory_space<vmem>> -> memref<16x8x128xf32, #tpu.memory_space<vmem>>
      %dma_wait3A_152 = arith.constant 0 : i32
      %dma_wait3A_153 = arith.constant 0 : i32
      %dma_wait3A_154 = arith.constant 0 : i32
      %dma_wait3A_155 = tpu.memref_slice %arg2[%dma_wait3A_145, %dma_wait3A_152, %dma_wait3A_153, %dma_wait3A_154] : memref<2x8192x8x128xf32, #tpu.memory_space<hbm>> -> memref<1x16x8x128xf32, #tpu.memory_space<hbm>>
      %dma_wait3A_156 = tpu.memref_squeeze %dma_wait3A_155 : memref<1x16x8x128xf32, #tpu.memory_space<hbm>> -> memref<16x8x128xf32, #tpu.memory_space<hbm>>
      %dma_wait3A_157 = arith.constant 0 : i32
      %dma_wait3A_158 = arith.constant 0 : i32
      %dma_wait3A_159 = arith.constant 0 : i32
      %dma_wait3A_160 = tpu.memref_slice %arg5[%dma_wait3A_146, %dma_wait3A_157, %dma_wait3A_158, %dma_wait3A_159] : memref<2x16x8x128xf32, #tpu.memory_space<vmem>> -> memref<1x16x8x128xf32, #tpu.memory_space<vmem>>
      %dma_wait3A_161 = tpu.memref_squeeze %dma_wait3A_160 : memref<1x16x8x128xf32, #tpu.memory_space<vmem>> -> memref<16x8x128xf32, #tpu.memory_space<vmem>>
      %dma_wait3A_162 = arith.constant 0 : i32
      %dma_wait3A_163 = arith.constant 0 : i32
      %dma_wait3A_164 = arith.constant 0 : i32
      %dma_wait3A_165 = tpu.memref_slice %arg2[%dma_wait3A_145, %dma_wait3A_162, %dma_wait3A_163, %dma_wait3A_164] : memref<2x8192x8x128xf32, #tpu.memory_space<hbm>> -> memref<1x16x8x128xf32, #tpu.memory_space<hbm>>
      %dma_wait3A_166 = tpu.memref_squeeze %dma_wait3A_165 : memref<1x16x8x128xf32, #tpu.memory_space<hbm>> -> memref<16x8x128xf32, #tpu.memory_space<hbm>>
      tpu.wait_dma2 semaphore(%arg10 : memref<!tpu.dma_semaphore, #tpu.memory_space<semaphore_mem>>) src(%dma_wait3A_166 : memref<16x8x128xf32, #tpu.memory_space<hbm>>) dst(%dma_wait3A_161 : memref<16x8x128xf32, #tpu.memory_space<vmem>>)
      %dma_wait3A_167 = arith.constant 1 : i32
      %dma_wait3A_168 = arith.constant 1 : i32
      %dma_wait3A_169 = arith.constant 0 : i32
      %dma_wait3A_170 = arith.constant 0 : i32
      %dma_wait3A_171 = arith.constant 0 : i32
      %dma_wait3A_172 = tpu.memref_slice %arg5[%dma_wait3A_168, %dma_wait3A_169, %dma_wait3A_170, %dma_wait3A_171] : memref<2x16x8x128xf32, #tpu.memory_space<vmem>> -> memref<1x16x8x128xf32, #tpu.memory_space<vmem>>
      %dma_wait3A_173 = tpu.memref_squeeze %dma_wait3A_172 : memref<1x16x8x128xf32, #tpu.memory_space<vmem>> -> memref<16x8x128xf32, #tpu.memory_space<vmem>>
      %dma_wait3A_174 = arith.constant 0 : i32
      %dma_wait3A_175 = arith.constant 0 : i32
      %dma_wait3A_176 = arith.constant 0 : i32
      %dma_wait3A_177 = tpu.memref_slice %arg2[%dma_wait3A_167, %dma_wait3A_174, %dma_wait3A_175, %dma_wait3A_176] : memref<2x8192x8x128xf32, #tpu.memory_space<hbm>> -> memref<1x16x8x128xf32, #tpu.memory_space<hbm>>
      %dma_wait3A_178 = tpu.memref_squeeze %dma_wait3A_177 : memref<1x16x8x128xf32, #tpu.memory_space<hbm>> -> memref<16x8x128xf32, #tpu.memory_space<hbm>>
      %dma_wait3A_179 = arith.constant 0 : i32
      %dma_wait3A_180 = arith.constant 0 : i32
      %dma_wait3A_181 = arith.constant 0 : i32
      %dma_wait3A_182 = tpu.memref_slice %arg5[%dma_wait3A_168, %dma_wait3A_179, %dma_wait3A_180, %dma_wait3A_181] : memref<2x16x8x128xf32, #tpu.memory_space<vmem>> -> memref<1x16x8x128xf32, #tpu.memory_space<vmem>>
      %dma_wait3A_183 = tpu.memref_squeeze %dma_wait3A_182 : memref<1x16x8x128xf32, #tpu.memory_space<vmem>> -> memref<16x8x128xf32, #tpu.memory_space<vmem>>
      %dma_wait3A_184 = arith.constant 0 : i32
      %dma_wait3A_185 = arith.constant 0 : i32
      %dma_wait3A_186 = arith.constant 0 : i32
      %dma_wait3A_187 = tpu.memref_slice %arg2[%dma_wait3A_167, %dma_wait3A_184, %dma_wait3A_185, %dma_wait3A_186] : memref<2x8192x8x128xf32, #tpu.memory_space<hbm>> -> memref<1x16x8x128xf32, #tpu.memory_space<hbm>>
      %dma_wait3A_188 = tpu.memref_squeeze %dma_wait3A_187 : memref<1x16x8x128xf32, #tpu.memory_space<hbm>> -> memref<16x8x128xf32, #tpu.memory_space<hbm>>
      tpu.wait_dma2 semaphore(%arg10 : memref<!tpu.dma_semaphore, #tpu.memory_space<semaphore_mem>>) src(%dma_wait3A_188 : memref<16x8x128xf32, #tpu.memory_space<hbm>>) dst(%dma_wait3A_183 : memref<16x8x128xf32, #tpu.memory_space<vmem>>)
      %ge3A = arith.constant 2 : i32
      %ge3A_189 = arith.cmpi sge, %add3A_144, %ge3A : i32
      %convert_element_type3A = arith.extui %ge3A_189 : i1 to i32
      %cond3A = arith.constant 0 : i32
      %cond3A_190 = arith.cmpi ne, %convert_element_type3A, %cond3A : i32
      scf.if %cond3A_190 {
        %dma_wait3A_280 = arith.constant 0 : i32
        %dma_wait3A_281 = arith.constant 0 : i32
        %dma_wait3A_282 = arith.constant 0 : i32
        %dma_wait3A_283 = tpu.memref_slice %arg4[%dma_wait3A_280, %dma_wait3A_281, %dma_wait3A_282] : memref<8192x4x128xf32, #tpu.memory_space<hbm>> -> memref<16x4x128xf32, #tpu.memory_space<hbm>>
        %dma_wait3A_284 = arith.constant 0 : i32
        %dma_wait3A_285 = arith.constant 0 : i32
        %dma_wait3A_286 = arith.constant 0 : i32
        %dma_wait3A_287 = tpu.memref_slice %arg4[%dma_wait3A_284, %dma_wait3A_285, %dma_wait3A_286] : memref<8192x4x128xf32, #tpu.memory_space<hbm>> -> memref<16x4x128xf32, #tpu.memory_space<hbm>>
        tpu.wait_dma2 semaphore(%arg12 : memref<!tpu.dma_semaphore, #tpu.memory_space<semaphore_mem>>) src(%arg7 : memref<16x4x128xf32, #tpu.memory_space<vmem>>) dst(%dma_wait3A_287 : memref<16x4x128xf32, #tpu.memory_space<hbm>>)
      } else {
      }
      %parallel_loop3A = arith.constant 0 : i32
      %parallel_loop3A_191 = arith.constant 128 : i32
      %parallel_loop3A_192 = arith.constant 1 : i32
      scf.for %parallel_loop3A_280 = %parallel_loop3A to %parallel_loop3A_191 step %parallel_loop3A_192  : i32 {
        %parallel_loop3A_281 = arith.constant 3 : i32
        %parallel_loop3A_282 = arith.shrsi %parallel_loop3A_280, %parallel_loop3A_281 : i32
        %parallel_loop3A_283 = arith.constant 7 : i32
        %parallel_loop3A_284 = arith.andi %parallel_loop3A_280, %parallel_loop3A_283 : i32
        %parallel_loop3A_285 = arith.constant 16 : i32
        %parallel_loop3A_286 = arith.muli %parallel_loop3A_284, %parallel_loop3A_285 : i32
        %parallel_loop3A_287 = arith.constant 0 : i32
        %parallel_loop3A_288 = arith.constant 0 : i32
        %parallel_loop3A_289 = arith.index_cast %parallel_loop3A_287 : i32 to index
        %parallel_loop3A_290 = arith.index_cast %parallel_loop3A_282 : i32 to index
        %parallel_loop3A_291 = arith.index_cast %parallel_loop3A_288 : i32 to index
        %parallel_loop3A_292 = arith.index_cast %parallel_loop3A_286 : i32 to index
        %parallel_loop3A_293 = tpu.vector_load %arg5[%parallel_loop3A_289, %parallel_loop3A_290, %parallel_loop3A_291, %parallel_loop3A_292] {strides = array<i32>} : memref<2x16x8x128xf32, #tpu.memory_space<vmem>>, vector<16xf32>,
        %parallel_loop3A_294 = arith.constant 0 : i32
        %parallel_loop3A_295 = arith.constant 1 : i32
        %parallel_loop3A_296 = arith.index_cast %parallel_loop3A_294 : i32 to index
        %parallel_loop3A_297 = arith.index_cast %parallel_loop3A_282 : i32 to index
        %parallel_loop3A_298 = arith.index_cast %parallel_loop3A_295 : i32 to index
        %parallel_loop3A_299 = arith.index_cast %parallel_loop3A_286 : i32 to index
        %parallel_loop3A_300 = tpu.vector_load %arg5[%parallel_loop3A_296, %parallel_loop3A_297, %parallel_loop3A_298, %parallel_loop3A_299] {strides = array<i32>} : memref<2x16x8x128xf32, #tpu.memory_space<vmem>>, vector<16xf32>,
        %parallel_loop3A_301 = arith.constant 0 : i32
        %parallel_loop3A_302 = arith.constant 2 : i32
        %parallel_loop3A_303 = arith.index_cast %parallel_loop3A_301 : i32 to index
        %parallel_loop3A_304 = arith.index_cast %parallel_loop3A_282 : i32 to index
        %parallel_loop3A_305 = arith.index_cast %parallel_loop3A_302 : i32 to index
        %parallel_loop3A_306 = arith.index_cast %parallel_loop3A_286 : i32 to index
        %parallel_loop3A_307 = tpu.vector_load %arg5[%parallel_loop3A_303, %parallel_loop3A_304, %parallel_loop3A_305, %parallel_loop3A_306] {strides = array<i32>} : memref<2x16x8x128xf32, #tpu.memory_space<vmem>>, vector<16xf32>,
        %parallel_loop3A_308 = arith.constant 0 : i32
        %parallel_loop3A_309 = arith.constant 3 : i32
        %parallel_loop3A_310 = arith.index_cast %parallel_loop3A_308 : i32 to index
        %parallel_loop3A_311 = arith.index_cast %parallel_loop3A_282 : i32 to index
        %parallel_loop3A_312 = arith.index_cast %parallel_loop3A_309 : i32 to index
        %parallel_loop3A_313 = arith.index_cast %parallel_loop3A_286 : i32 to index
        %parallel_loop3A_314 = tpu.vector_load %arg5[%parallel_loop3A_310, %parallel_loop3A_311, %parallel_loop3A_312, %parallel_loop3A_313] {strides = array<i32>} : memref<2x16x8x128xf32, #tpu.memory_space<vmem>>, vector<16xf32>,
        %parallel_loop3A_315 = arith.constant 0 : i32
        %parallel_loop3A_316 = arith.constant 4 : i32
        %parallel_loop3A_317 = arith.index_cast %parallel_loop3A_315 : i32 to index
        %parallel_loop3A_318 = arith.index_cast %parallel_loop3A_282 : i32 to index
        %parallel_loop3A_319 = arith.index_cast %parallel_loop3A_316 : i32 to index
        %parallel_loop3A_320 = arith.index_cast %parallel_loop3A_286 : i32 to index
        %parallel_loop3A_321 = tpu.vector_load %arg5[%parallel_loop3A_317, %parallel_loop3A_318, %parallel_loop3A_319, %parallel_loop3A_320] {strides = array<i32>} : memref<2x16x8x128xf32, #tpu.memory_space<vmem>>, vector<16xf32>,
        %parallel_loop3A_322 = arith.constant 0 : i32
        %parallel_loop3A_323 = arith.constant 5 : i32
        %parallel_loop3A_324 = arith.index_cast %parallel_loop3A_322 : i32 to index
        %parallel_loop3A_325 = arith.index_cast %parallel_loop3A_282 : i32 to index
        %parallel_loop3A_326 = arith.index_cast %parallel_loop3A_323 : i32 to index
        %parallel_loop3A_327 = arith.index_cast %parallel_loop3A_286 : i32 to index
        %parallel_loop3A_328 = tpu.vector_load %arg5[%parallel_loop3A_324, %parallel_loop3A_325, %parallel_loop3A_326, %parallel_loop3A_327] {strides = array<i32>} : memref<2x16x8x128xf32, #tpu.memory_space<vmem>>, vector<16xf32>,
        %parallel_loop3A_329 = arith.constant 0 : i32
        %parallel_loop3A_330 = arith.constant 6 : i32
        %parallel_loop3A_331 = arith.index_cast %parallel_loop3A_329 : i32 to index
        %parallel_loop3A_332 = arith.index_cast %parallel_loop3A_282 : i32 to index
        %parallel_loop3A_333 = arith.index_cast %parallel_loop3A_330 : i32 to index
        %parallel_loop3A_334 = arith.index_cast %parallel_loop3A_286 : i32 to index
        %parallel_loop3A_335 = tpu.vector_load %arg5[%parallel_loop3A_331, %parallel_loop3A_332, %parallel_loop3A_333, %parallel_loop3A_334] {strides = array<i32>} : memref<2x16x8x128xf32, #tpu.memory_space<vmem>>, vector<16xf32>,
        %parallel_loop3A_336 = arith.constant 0 : i32
        %parallel_loop3A_337 = arith.constant 7 : i32
        %parallel_loop3A_338 = arith.index_cast %parallel_loop3A_336 : i32 to index
        %parallel_loop3A_339 = arith.index_cast %parallel_loop3A_282 : i32 to index
        %parallel_loop3A_340 = arith.index_cast %parallel_loop3A_337 : i32 to index
        %parallel_loop3A_341 = arith.index_cast %parallel_loop3A_286 : i32 to index
        %parallel_loop3A_342 = tpu.vector_load %arg5[%parallel_loop3A_338, %parallel_loop3A_339, %parallel_loop3A_340, %parallel_loop3A_341] {strides = array<i32>} : memref<2x16x8x128xf32, #tpu.memory_space<vmem>>, vector<16xf32>,
        %parallel_loop3A_343 = arith.constant 1 : i32
        %parallel_loop3A_344 = arith.constant 0 : i32
        %parallel_loop3A_345 = arith.index_cast %parallel_loop3A_343 : i32 to index
        %parallel_loop3A_346 = arith.index_cast %parallel_loop3A_282 : i32 to index
        %parallel_loop3A_347 = arith.index_cast %parallel_loop3A_344 : i32 to index
        %parallel_loop3A_348 = arith.index_cast %parallel_loop3A_286 : i32 to index
        %parallel_loop3A_349 = tpu.vector_load %arg5[%parallel_loop3A_345, %parallel_loop3A_346, %parallel_loop3A_347, %parallel_loop3A_348] {strides = array<i32>} : memref<2x16x8x128xf32, #tpu.memory_space<vmem>>, vector<16xf32>,
        %parallel_loop3A_350 = arith.constant 1 : i32
        %parallel_loop3A_351 = arith.constant 1 : i32
        %parallel_loop3A_352 = arith.index_cast %parallel_loop3A_350 : i32 to index
        %parallel_loop3A_353 = arith.index_cast %parallel_loop3A_282 : i32 to index
        %parallel_loop3A_354 = arith.index_cast %parallel_loop3A_351 : i32 to index
        %parallel_loop3A_355 = arith.index_cast %parallel_loop3A_286 : i32 to index
        %parallel_loop3A_356 = tpu.vector_load %arg5[%parallel_loop3A_352, %parallel_loop3A_353, %parallel_loop3A_354, %parallel_loop3A_355] {strides = array<i32>} : memref<2x16x8x128xf32, #tpu.memory_space<vmem>>, vector<16xf32>,
        %parallel_loop3A_357 = arith.constant 1 : i32
        %parallel_loop3A_358 = arith.constant 2 : i32
        %parallel_loop3A_359 = arith.index_cast %parallel_loop3A_357 : i32 to index
        %parallel_loop3A_360 = arith.index_cast %parallel_loop3A_282 : i32 to index
        %parallel_loop3A_361 = arith.index_cast %parallel_loop3A_358 : i32 to index
        %parallel_loop3A_362 = arith.index_cast %parallel_loop3A_286 : i32 to index
        %parallel_loop3A_363 = tpu.vector_load %arg5[%parallel_loop3A_359, %parallel_loop3A_360, %parallel_loop3A_361, %parallel_loop3A_362] {strides = array<i32>} : memref<2x16x8x128xf32, #tpu.memory_space<vmem>>, vector<16xf32>,
        %parallel_loop3A_364 = arith.constant 1 : i32
        %parallel_loop3A_365 = arith.constant 3 : i32
        %parallel_loop3A_366 = arith.index_cast %parallel_loop3A_364 : i32 to index
        %parallel_loop3A_367 = arith.index_cast %parallel_loop3A_282 : i32 to index
        %parallel_loop3A_368 = arith.index_cast %parallel_loop3A_365 : i32 to index
        %parallel_loop3A_369 = arith.index_cast %parallel_loop3A_286 : i32 to index
        %parallel_loop3A_370 = tpu.vector_load %arg5[%parallel_loop3A_366, %parallel_loop3A_367, %parallel_loop3A_368, %parallel_loop3A_369] {strides = array<i32>} : memref<2x16x8x128xf32, #tpu.memory_space<vmem>>, vector<16xf32>,
        %parallel_loop3A_371 = arith.constant 1 : i32
        %parallel_loop3A_372 = arith.constant 4 : i32
        %parallel_loop3A_373 = arith.index_cast %parallel_loop3A_371 : i32 to index
        %parallel_loop3A_374 = arith.index_cast %parallel_loop3A_282 : i32 to index
        %parallel_loop3A_375 = arith.index_cast %parallel_loop3A_372 : i32 to index
        %parallel_loop3A_376 = arith.index_cast %parallel_loop3A_286 : i32 to index
        %parallel_loop3A_377 = tpu.vector_load %arg5[%parallel_loop3A_373, %parallel_loop3A_374, %parallel_loop3A_375, %parallel_loop3A_376] {strides = array<i32>} : memref<2x16x8x128xf32, #tpu.memory_space<vmem>>, vector<16xf32>,
        %parallel_loop3A_378 = arith.constant 1 : i32
        %parallel_loop3A_379 = arith.constant 5 : i32
        %parallel_loop3A_380 = arith.index_cast %parallel_loop3A_378 : i32 to index
        %parallel_loop3A_381 = arith.index_cast %parallel_loop3A_282 : i32 to index
        %parallel_loop3A_382 = arith.index_cast %parallel_loop3A_379 : i32 to index
        %parallel_loop3A_383 = arith.index_cast %parallel_loop3A_286 : i32 to index
        %parallel_loop3A_384 = tpu.vector_load %arg5[%parallel_loop3A_380, %parallel_loop3A_381, %parallel_loop3A_382, %parallel_loop3A_383] {strides = array<i32>} : memref<2x16x8x128xf32, #tpu.memory_space<vmem>>, vector<16xf32>,
        %parallel_loop3A_385 = arith.constant 1 : i32
        %parallel_loop3A_386 = arith.constant 6 : i32
        %parallel_loop3A_387 = arith.index_cast %parallel_loop3A_385 : i32 to index
        %parallel_loop3A_388 = arith.index_cast %parallel_loop3A_282 : i32 to index
        %parallel_loop3A_389 = arith.index_cast %parallel_loop3A_386 : i32 to index
        %parallel_loop3A_390 = arith.index_cast %parallel_loop3A_286 : i32 to index
        %parallel_loop3A_391 = tpu.vector_load %arg5[%parallel_loop3A_387, %parallel_loop3A_388, %parallel_loop3A_389, %parallel_loop3A_390] {strides = array<i32>} : memref<2x16x8x128xf32, #tpu.memory_space<vmem>>, vector<16xf32>,
        %parallel_loop3A_392 = arith.constant 1 : i32
        %parallel_loop3A_393 = arith.constant 7 : i32
        %parallel_loop3A_394 = arith.index_cast %parallel_loop3A_392 : i32 to index
        %parallel_loop3A_395 = arith.index_cast %parallel_loop3A_282 : i32 to index
        %parallel_loop3A_396 = arith.index_cast %parallel_loop3A_393 : i32 to index
        %parallel_loop3A_397 = arith.index_cast %parallel_loop3A_286 : i32 to index
        %parallel_loop3A_398 = tpu.vector_load %arg5[%parallel_loop3A_394, %parallel_loop3A_395, %parallel_loop3A_396, %parallel_loop3A_397] {strides = array<i32>} : memref<2x16x8x128xf32, #tpu.memory_space<vmem>>, vector<16xf32>,
        %parallel_loop3A_399 = arith.cmpf ogt, %parallel_loop3A_300, %parallel_loop3A_293 : vector<16xf32>
        %parallel_loop3A_400 = arith.select %parallel_loop3A_399, %parallel_loop3A_300, %parallel_loop3A_293 : vector<16xi1>, vector<16xf32>
        %parallel_loop3A_401 = arith.select %parallel_loop3A_399, %broadcast_in_dim3A_5, %broadcast_in_dim3A_3 : vector<16xi1>, vector<16xi32>
        %parallel_loop3A_402 = arith.cmpf ogt, %parallel_loop3A_314, %parallel_loop3A_307 : vector<16xf32>
        %parallel_loop3A_403 = arith.select %parallel_loop3A_402, %parallel_loop3A_314, %parallel_loop3A_307 : vector<16xi1>, vector<16xf32>
        %parallel_loop3A_404 = arith.select %parallel_loop3A_402, %broadcast_in_dim3A_9, %broadcast_in_dim3A_7 : vector<16xi1>, vector<16xi32>
        %parallel_loop3A_405 = arith.cmpf ogt, %parallel_loop3A_328, %parallel_loop3A_321 : vector<16xf32>
        %parallel_loop3A_406 = arith.select %parallel_loop3A_405, %parallel_loop3A_328, %parallel_loop3A_321 : vector<16xi1>, vector<16xf32>
        %parallel_loop3A_407 = arith.select %parallel_loop3A_405, %broadcast_in_dim3A_13, %broadcast_in_dim3A_11 : vector<16xi1>, vector<16xi32>
        %parallel_loop3A_408 = arith.cmpf ogt, %parallel_loop3A_342, %parallel_loop3A_335 : vector<16xf32>
        %parallel_loop3A_409 = arith.select %parallel_loop3A_408, %parallel_loop3A_342, %parallel_loop3A_335 : vector<16xi1>, vector<16xf32>
        %parallel_loop3A_410 = arith.select %parallel_loop3A_408, %broadcast_in_dim3A_17, %broadcast_in_dim3A_15 : vector<16xi1>, vector<16xi32>
        %parallel_loop3A_411 = arith.cmpf ogt, %parallel_loop3A_356, %parallel_loop3A_349 : vector<16xf32>
        %parallel_loop3A_412 = arith.select %parallel_loop3A_411, %parallel_loop3A_356, %parallel_loop3A_349 : vector<16xi1>, vector<16xf32>
        %parallel_loop3A_413 = arith.select %parallel_loop3A_411, %broadcast_in_dim3A_21, %broadcast_in_dim3A_19 : vector<16xi1>, vector<16xi32>
        %parallel_loop3A_414 = arith.cmpf ogt, %parallel_loop3A_370, %parallel_loop3A_363 : vector<16xf32>
        %parallel_loop3A_415 = arith.select %parallel_loop3A_414, %parallel_loop3A_370, %parallel_loop3A_363 : vector<16xi1>, vector<16xf32>
        %parallel_loop3A_416 = arith.select %parallel_loop3A_414, %broadcast_in_dim3A_25, %broadcast_in_dim3A_23 : vector<16xi1>, vector<16xi32>
        %parallel_loop3A_417 = arith.cmpf ogt, %parallel_loop3A_384, %parallel_loop3A_377 : vector<16xf32>
        %parallel_loop3A_418 = arith.select %parallel_loop3A_417, %parallel_loop3A_384, %parallel_loop3A_377 : vector<16xi1>, vector<16xf32>
        %parallel_loop3A_419 = arith.select %parallel_loop3A_417, %broadcast_in_dim3A_29, %broadcast_in_dim3A_27 : vector<16xi1>, vector<16xi32>
        %parallel_loop3A_420 = arith.cmpf ogt, %parallel_loop3A_398, %parallel_loop3A_391 : vector<16xf32>
        %parallel_loop3A_421 = arith.select %parallel_loop3A_420, %parallel_loop3A_398, %parallel_loop3A_391 : vector<16xi1>, vector<16xf32>
        %parallel_loop3A_422 = arith.select %parallel_loop3A_420, %broadcast_in_dim3A_33, %broadcast_in_dim3A_31 : vector<16xi1>, vector<16xi32>
        %parallel_loop3A_423 = arith.cmpf ogt, %parallel_loop3A_403, %parallel_loop3A_400 : vector<16xf32>
        %parallel_loop3A_424 = arith.select %parallel_loop3A_423, %parallel_loop3A_403, %parallel_loop3A_400 : vector<16xi1>, vector<16xf32>
        %parallel_loop3A_425 = arith.select %parallel_loop3A_423, %parallel_loop3A_404, %parallel_loop3A_401 : vector<16xi1>, vector<16xi32>
        %parallel_loop3A_426 = arith.cmpf ogt, %parallel_loop3A_409, %parallel_loop3A_406 : vector<16xf32>
        %parallel_loop3A_427 = arith.select %parallel_loop3A_426, %parallel_loop3A_409, %parallel_loop3A_406 : vector<16xi1>, vector<16xf32>
        %parallel_loop3A_428 = arith.select %parallel_loop3A_426, %parallel_loop3A_410, %parallel_loop3A_407 : vector<16xi1>, vector<16xi32>
        %parallel_loop3A_429 = arith.cmpf ogt, %parallel_loop3A_415, %parallel_loop3A_412 : vector<16xf32>
        %parallel_loop3A_430 = arith.select %parallel_loop3A_429, %parallel_loop3A_415, %parallel_loop3A_412 : vector<16xi1>, vector<16xf32>
        %parallel_loop3A_431 = arith.select %parallel_loop3A_429, %parallel_loop3A_416, %parallel_loop3A_413 : vector<16xi1>, vector<16xi32>
        %parallel_loop3A_432 = arith.cmpf ogt, %parallel_loop3A_421, %parallel_loop3A_418 : vector<16xf32>
        %parallel_loop3A_433 = arith.select %parallel_loop3A_432, %parallel_loop3A_421, %parallel_loop3A_418 : vector<16xi1>, vector<16xf32>
        %parallel_loop3A_434 = arith.select %parallel_loop3A_432, %parallel_loop3A_422, %parallel_loop3A_419 : vector<16xi1>, vector<16xi32>
        %parallel_loop3A_435 = arith.cmpf ogt, %parallel_loop3A_427, %parallel_loop3A_424 : vector<16xf32>
        %parallel_loop3A_436 = arith.select %parallel_loop3A_435, %parallel_loop3A_427, %parallel_loop3A_424 : vector<16xi1>, vector<16xf32>
        %parallel_loop3A_437 = arith.select %parallel_loop3A_435, %parallel_loop3A_428, %parallel_loop3A_425 : vector<16xi1>, vector<16xi32>
        %parallel_loop3A_438 = arith.cmpf ogt, %parallel_loop3A_433, %parallel_loop3A_430 : vector<16xf32>
        %parallel_loop3A_439 = arith.select %parallel_loop3A_438, %parallel_loop3A_433, %parallel_loop3A_430 : vector<16xi1>, vector<16xf32>
        %parallel_loop3A_440 = arith.select %parallel_loop3A_438, %parallel_loop3A_434, %parallel_loop3A_431 : vector<16xi1>, vector<16xi32>
        %parallel_loop3A_441 = arith.cmpf ogt, %parallel_loop3A_439, %parallel_loop3A_436 : vector<16xf32>
        %parallel_loop3A_442 = arith.select %parallel_loop3A_441, %parallel_loop3A_439, %parallel_loop3A_436 : vector<16xi1>, vector<16xf32>
        %parallel_loop3A_443 = arith.select %parallel_loop3A_441, %parallel_loop3A_440, %parallel_loop3A_437 : vector<16xi1>, vector<16xi32>
        %parallel_loop3A_444 = tpu.vector_load_idx %arg9[%parallel_loop3A_443, %broadcast_in_dim3A_3] : memref<16x4xf32, #tpu.memory_space<vmem>>[vector<16xi32>, vector<16xi32>], vector<16xf32>,
        %parallel_loop3A_445 = arith.constant 0 : i32
        %parallel_loop3A_446 = arith.index_cast %parallel_loop3A_282 : i32 to index
        %parallel_loop3A_447 = arith.index_cast %parallel_loop3A_445 : i32 to index
        %parallel_loop3A_448 = arith.index_cast %parallel_loop3A_286 : i32 to index
        %parallel_loop3A_449 = tpu.vector_load %arg7[%parallel_loop3A_446, %parallel_loop3A_447, %parallel_loop3A_448] {strides = array<i32>} : memref<16x4x128xf32, #tpu.memory_space<vmem>>, vector<16xf32>,
        tpu.vector_store %arg7[%parallel_loop3A_446, %parallel_loop3A_447, %parallel_loop3A_448], %parallel_loop3A_444 {strides = array<i32>} : memref<16x4x128xf32, #tpu.memory_space<vmem>>, vector<16xf32>,
        %parallel_loop3A_450 = tpu.vector_load_idx %arg9[%parallel_loop3A_443, %broadcast_in_dim3A_5] : memref<16x4xf32, #tpu.memory_space<vmem>>[vector<16xi32>, vector<16xi32>], vector<16xf32>,
        %parallel_loop3A_451 = arith.constant 1 : i32
        %parallel_loop3A_452 = arith.index_cast %parallel_loop3A_282 : i32 to index
        %parallel_loop3A_453 = arith.index_cast %parallel_loop3A_451 : i32 to index
        %parallel_loop3A_454 = arith.index_cast %parallel_loop3A_286 : i32 to index
        %parallel_loop3A_455 = tpu.vector_load %arg7[%parallel_loop3A_452, %parallel_loop3A_453, %parallel_loop3A_454] {strides = array<i32>} : memref<16x4x128xf32, #tpu.memory_space<vmem>>, vector<16xf32>,
        tpu.vector_store %arg7[%parallel_loop3A_452, %parallel_loop3A_453, %parallel_loop3A_454], %parallel_loop3A_450 {strides = array<i32>} : memref<16x4x128xf32, #tpu.memory_space<vmem>>, vector<16xf32>,
        %parallel_loop3A_456 = tpu.vector_load_idx %arg9[%parallel_loop3A_443, %broadcast_in_dim3A_7] : memref<16x4xf32, #tpu.memory_space<vmem>>[vector<16xi32>, vector<16xi32>], vector<16xf32>,
        %parallel_loop3A_457 = arith.constant 2 : i32
        %parallel_loop3A_458 = arith.index_cast %parallel_loop3A_282 : i32 to index
        %parallel_loop3A_459 = arith.index_cast %parallel_loop3A_457 : i32 to index
        %parallel_loop3A_460 = arith.index_cast %parallel_loop3A_286 : i32 to index
        %parallel_loop3A_461 = tpu.vector_load %arg7[%parallel_loop3A_458, %parallel_loop3A_459, %parallel_loop3A_460] {strides = array<i32>} : memref<16x4x128xf32, #tpu.memory_space<vmem>>, vector<16xf32>,
        tpu.vector_store %arg7[%parallel_loop3A_458, %parallel_loop3A_459, %parallel_loop3A_460], %parallel_loop3A_456 {strides = array<i32>} : memref<16x4x128xf32, #tpu.memory_space<vmem>>, vector<16xf32>,
        %parallel_loop3A_462 = tpu.vector_load_idx %arg9[%parallel_loop3A_443, %broadcast_in_dim3A_9] : memref<16x4xf32, #tpu.memory_space<vmem>>[vector<16xi32>, vector<16xi32>], vector<16xf32>,
        %parallel_loop3A_463 = arith.constant 3 : i32
        %parallel_loop3A_464 = arith.index_cast %parallel_loop3A_282 : i32 to index
        %parallel_loop3A_465 = arith.index_cast %parallel_loop3A_463 : i32 to index
        %parallel_loop3A_466 = arith.index_cast %parallel_loop3A_286 : i32 to index
        %parallel_loop3A_467 = tpu.vector_load %arg7[%parallel_loop3A_464, %parallel_loop3A_465, %parallel_loop3A_466] {strides = array<i32>} : memref<16x4x128xf32, #tpu.memory_space<vmem>>, vector<16xf32>,
        tpu.vector_store %arg7[%parallel_loop3A_464, %parallel_loop3A_465, %parallel_loop3A_466], %parallel_loop3A_462 {strides = array<i32>} : memref<16x4x128xf32, #tpu.memory_space<vmem>>, vector<16xf32>,
      } {sc.loop_unroll_factor = 2 : i64, sc.parallel_access}
      %mul3A_193 = arith.constant 16 : i32
      %mul3A_194 = arith.muli %add3A_144, %mul3A_193 : i32
      %add3A_195 = arith.addi %mul3A_2, %mul3A_194 : i32
      %dma_start3A_196 = arith.constant 0 : i32
      %dma_start3A_197 = arith.constant 0 : i32
      %dma_start3A_198 = tpu.memref_slice %arg4[%add3A_195, %dma_start3A_196, %dma_start3A_197] : memref<8192x4x128xf32, #tpu.memory_space<hbm>> -> memref<16x4x128xf32, #tpu.memory_space<hbm>>
      %dma_start3A_199 = arith.constant 0 : i32
      %dma_start3A_200 = arith.constant 0 : i32
      %dma_start3A_201 = tpu.memref_slice %arg4[%add3A_195, %dma_start3A_199, %dma_start3A_200] : memref<8192x4x128xf32, #tpu.memory_space<hbm>> -> memref<16x4x128xf32, #tpu.memory_space<hbm>>
      tpu.enqueue_dma source(%arg7 : memref<16x4x128xf32, #tpu.memory_space<vmem>>) target(%dma_start3A_201 : memref<16x4x128xf32, #tpu.memory_space<hbm>>) target_semaphore(%arg12 : memref<!tpu.dma_semaphore, #tpu.memory_space<semaphore_mem>>)
      %add3A_202 = arith.constant 2 : i32
      %add3A_203 = arith.addi %add3A_144, %add3A_202 : i32
      %lt3A = arith.constant 16 : i32
      %lt3A_204 = arith.cmpi slt, %add3A_203, %lt3A : i32
      %convert_element_type3A_205 = arith.extui %lt3A_204 : i1 to i32
      %cond3A_206 = arith.constant 0 : i32
      %cond3A_207 = arith.cmpi ne, %convert_element_type3A_205, %cond3A_206 : i32
      scf.if %cond3A_207 {
        %add3A_280 = arith.constant 2 : i32
        %add3A_281 = arith.addi %add3A_144, %add3A_280 : i32
        %mul3A_282 = arith.constant 16 : i32
        %mul3A_283 = arith.muli %add3A_281, %mul3A_282 : i32
        %add3A_284 = arith.addi %mul3A_2, %mul3A_283 : i32
        %dma_start3A_285 = arith.constant 0 : i32
        %dma_start3A_286 = arith.constant 0 : i32
        %dma_start3A_287 = arith.constant 0 : i32
        %dma_start3A_288 = arith.constant 0 : i32
        %dma_start3A_289 = arith.constant 0 : i32
        %dma_start3A_290 = tpu.memref_slice %arg5[%dma_start3A_286, %dma_start3A_287, %dma_start3A_288, %dma_start3A_289] : memref<2x16x8x128xf32, #tpu.memory_space<vmem>> -> memref<1x16x8x128xf32, #tpu.memory_space<vmem>>
        %dma_start3A_291 = tpu.memref_squeeze %dma_start3A_290 : memref<1x16x8x128xf32, #tpu.memory_space<vmem>> -> memref<16x8x128xf32, #tpu.memory_space<vmem>>
        %dma_start3A_292 = arith.constant 0 : i32
        %dma_start3A_293 = arith.constant 0 : i32
        %dma_start3A_294 = tpu.memref_slice %arg2[%dma_start3A_285, %add3A_284, %dma_start3A_292, %dma_start3A_293] : memref<2x8192x8x128xf32, #tpu.memory_space<hbm>> -> memref<1x16x8x128xf32, #tpu.memory_space<hbm>>
        %dma_start3A_295 = tpu.memref_squeeze %dma_start3A_294 : memref<1x16x8x128xf32, #tpu.memory_space<hbm>> -> memref<16x8x128xf32, #tpu.memory_space<hbm>>
        %dma_start3A_296 = arith.constant 0 : i32
        %dma_start3A_297 = arith.constant 0 : i32
        %dma_start3A_298 = arith.constant 0 : i32
        %dma_start3A_299 = tpu.memref_slice %arg5[%dma_start3A_286, %dma_start3A_296, %dma_start3A_297, %dma_start3A_298] : memref<2x16x8x128xf32, #tpu.memory_space<vmem>> -> memref<1x16x8x128xf32, #tpu.memory_space<vmem>>
        %dma_start3A_300 = tpu.memref_squeeze %dma_start3A_299 : memref<1x16x8x128xf32, #tpu.memory_space<vmem>> -> memref<16x8x128xf32, #tpu.memory_space<vmem>>
        %dma_start3A_301 = arith.constant 0 : i32
        %dma_start3A_302 = arith.constant 0 : i32
        %dma_start3A_303 = tpu.memref_slice %arg2[%dma_start3A_285, %add3A_284, %dma_start3A_301, %dma_start3A_302] : memref<2x8192x8x128xf32, #tpu.memory_space<hbm>> -> memref<1x16x8x128xf32, #tpu.memory_space<hbm>>
        %dma_start3A_304 = tpu.memref_squeeze %dma_start3A_303 : memref<1x16x8x128xf32, #tpu.memory_space<hbm>> -> memref<16x8x128xf32, #tpu.memory_space<hbm>>
        tpu.enqueue_dma source(%dma_start3A_304 : memref<16x8x128xf32, #tpu.memory_space<hbm>>) target(%dma_start3A_300 : memref<16x8x128xf32, #tpu.memory_space<vmem>>) target_semaphore(%arg10 : memref<!tpu.dma_semaphore, #tpu.memory_space<semaphore_mem>>)
        %dma_start3A_305 = arith.constant 1 : i32
        %dma_start3A_306 = arith.constant 1 : i32
        %dma_start3A_307 = arith.constant 0 : i32
        %dma_start3A_308 = arith.constant 0 : i32
        %dma_start3A_309 = arith.constant 0 : i32
        %dma_start3A_310 = tpu.memref_slice %arg5[%dma_start3A_306, %dma_start3A_307, %dma_start3A_308, %dma_start3A_309] : memref<2x16x8x128xf32, #tpu.memory_space<vmem>> -> memref<1x16x8x128xf32, #tpu.memory_space<vmem>>
        %dma_start3A_311 = tpu.memref_squeeze %dma_start3A_310 : memref<1x16x8x128xf32, #tpu.memory_space<vmem>> -> memref<16x8x128xf32, #tpu.memory_space<vmem>>
        %dma_start3A_312 = arith.constant 0 : i32
        %dma_start3A_313 = arith.constant 0 : i32
        %dma_start3A_314 = tpu.memref_slice %arg2[%dma_start3A_305, %add3A_284, %dma_start3A_312, %dma_start3A_313] : memref<2x8192x8x128xf32, #tpu.memory_space<hbm>> -> memref<1x16x8x128xf32, #tpu.memory_space<hbm>>
        %dma_start3A_315 = tpu.memref_squeeze %dma_start3A_314 : memref<1x16x8x128xf32, #tpu.memory_space<hbm>> -> memref<16x8x128xf32, #tpu.memory_space<hbm>>
        %dma_start3A_316 = arith.constant 0 : i32
        %dma_start3A_317 = arith.constant 0 : i32
        %dma_start3A_318 = arith.constant 0 : i32
        %dma_start3A_319 = tpu.memref_slice %arg5[%dma_start3A_306, %dma_start3A_316, %dma_start3A_317, %dma_start3A_318] : memref<2x16x8x128xf32, #tpu.memory_space<vmem>> -> memref<1x16x8x128xf32, #tpu.memory_space<vmem>>
        %dma_start3A_320 = tpu.memref_squeeze %dma_start3A_319 : memref<1x16x8x128xf32, #tpu.memory_space<vmem>> -> memref<16x8x128xf32, #tpu.memory_space<vmem>>
        %dma_start3A_321 = arith.constant 0 : i32
        %dma_start3A_322 = arith.constant 0 : i32
        %dma_start3A_323 = tpu.memref_slice %arg2[%dma_start3A_305, %add3A_284, %dma_start3A_321, %dma_start3A_322] : memref<2x8192x8x128xf32, #tpu.memory_space<hbm>> -> memref<1x16x8x128xf32, #tpu.memory_space<hbm>>
        %dma_start3A_324 = tpu.memref_squeeze %dma_start3A_323 : memref<1x16x8x128xf32, #tpu.memory_space<hbm>> -> memref<16x8x128xf32, #tpu.memory_space<hbm>>
        tpu.enqueue_dma source(%dma_start3A_324 : memref<16x8x128xf32, #tpu.memory_space<hbm>>) target(%dma_start3A_320 : memref<16x8x128xf32, #tpu.memory_space<vmem>>) target_semaphore(%arg10 : memref<!tpu.dma_semaphore, #tpu.memory_space<semaphore_mem>>)
      } else {
      }
      %mul3A_208 = arith.constant 2 : i32
      %mul3A_209 = arith.muli %add3A_140, %mul3A_208 : i32
      %add3A_210 = arith.constant 1 : i32
      %add3A_211 = arith.addi %mul3A_209, %add3A_210 : i32
      %dma_wait3A_212 = arith.constant 0 : i32
      %dma_wait3A_213 = arith.constant 0 : i32
      %dma_wait3A_214 = arith.constant 0 : i32
      %dma_wait3A_215 = arith.constant 0 : i32
      %dma_wait3A_216 = arith.constant 0 : i32
      %dma_wait3A_217 = tpu.memref_slice %arg6[%dma_wait3A_213, %dma_wait3A_214, %dma_wait3A_215, %dma_wait3A_216] : memref<2x16x8x128xf32, #tpu.memory_space<vmem>> -> memref<1x16x8x128xf32, #tpu.memory_space<vmem>>
      %dma_wait3A_218 = tpu.memref_squeeze %dma_wait3A_217 : memref<1x16x8x128xf32, #tpu.memory_space<vmem>> -> memref<16x8x128xf32, #tpu.memory_space<vmem>>
      %dma_wait3A_219 = arith.constant 0 : i32
      %dma_wait3A_220 = arith.constant 0 : i32
      %dma_wait3A_221 = arith.constant 0 : i32
      %dma_wait3A_222 = tpu.memref_slice %arg2[%dma_wait3A_212, %dma_wait3A_219, %dma_wait3A_220, %dma_wait3A_221] : memref<2x8192x8x128xf32, #tpu.memory_space<hbm>> -> memref<1x16x8x128xf32, #tpu.memory_space<hbm>>
      %dma_wait3A_223 = tpu.memref_squeeze %dma_wait3A_222 : memref<1x16x8x128xf32, #tpu.memory_space<hbm>> -> memref<16x8x128xf32, #tpu.memory_space<hbm>>
      %dma_wait3A_224 = arith.constant 0 : i32
      %dma_wait3A_225 = arith.constant 0 : i32
      %dma_wait3A_226 = arith.constant 0 : i32
      %dma_wait3A_227 = tpu.memref_slice %arg6[%dma_wait3A_213, %dma_wait3A_224, %dma_wait3A_225, %dma_wait3A_226] : memref<2x16x8x128xf32, #tpu.memory_space<vmem>> -> memref<1x16x8x128xf32, #tpu.memory_space<vmem>>
      %dma_wait3A_228 = tpu.memref_squeeze %dma_wait3A_227 : memref<1x16x8x128xf32, #tpu.memory_space<vmem>> -> memref<16x8x128xf32, #tpu.memory_space<vmem>>
      %dma_wait3A_229 = arith.constant 0 : i32
      %dma_wait3A_230 = arith.constant 0 : i32
      %dma_wait3A_231 = arith.constant 0 : i32
      %dma_wait3A_232 = tpu.memref_slice %arg2[%dma_wait3A_212, %dma_wait3A_229, %dma_wait3A_230, %dma_wait3A_231] : memref<2x8192x8x128xf32, #tpu.memory_space<hbm>> -> memref<1x16x8x128xf32, #tpu.memory_space<hbm>>
      %dma_wait3A_233 = tpu.memref_squeeze %dma_wait3A_232 : memref<1x16x8x128xf32, #tpu.memory_space<hbm>> -> memref<16x8x128xf32, #tpu.memory_space<hbm>>
      tpu.wait_dma2 semaphore(%arg11 : memref<!tpu.dma_semaphore, #tpu.memory_space<semaphore_mem>>) src(%dma_wait3A_233 : memref<16x8x128xf32, #tpu.memory_space<hbm>>) dst(%dma_wait3A_228 : memref<16x8x128xf32, #tpu.memory_space<vmem>>)
      %dma_wait3A_234 = arith.constant 1 : i32
      %dma_wait3A_235 = arith.constant 1 : i32
      %dma_wait3A_236 = arith.constant 0 : i32
      %dma_wait3A_237 = arith.constant 0 : i32
      %dma_wait3A_238 = arith.constant 0 : i32
      %dma_wait3A_239 = tpu.memref_slice %arg6[%dma_wait3A_235, %dma_wait3A_236, %dma_wait3A_237, %dma_wait3A_238] : memref<2x16x8x128xf32, #tpu.memory_space<vmem>> -> memref<1x16x8x128xf32, #tpu.memory_space<vmem>>
      %dma_wait3A_240 = tpu.memref_squeeze %dma_wait3A_239 : memref<1x16x8x128xf32, #tpu.memory_space<vmem>> -> memref<16x8x128xf32, #tpu.memory_space<vmem>>
      %dma_wait3A_241 = arith.constant 0 : i32
      %dma_wait3A_242 = arith.constant 0 : i32
      %dma_wait3A_243 = arith.constant 0 : i32
      %dma_wait3A_244 = tpu.memref_slice %arg2[%dma_wait3A_234, %dma_wait3A_241, %dma_wait3A_242, %dma_wait3A_243] : memref<2x8192x8x128xf32, #tpu.memory_space<hbm>> -> memref<1x16x8x128xf32, #tpu.memory_space<hbm>>
      %dma_wait3A_245 = tpu.memref_squeeze %dma_wait3A_244 : memref<1x16x8x128xf32, #tpu.memory_space<hbm>> -> memref<16x8x128xf32, #tpu.memory_space<hbm>>
      %dma_wait3A_246 = arith.constant 0 : i32
      %dma_wait3A_247 = arith.constant 0 : i32
      %dma_wait3A_248 = arith.constant 0 : i32
      %dma_wait3A_249 = tpu.memref_slice %arg6[%dma_wait3A_235, %dma_wait3A_246, %dma_wait3A_247, %dma_wait3A_248] : memref<2x16x8x128xf32, #tpu.memory_space<vmem>> -> memref<1x16x8x128xf32, #tpu.memory_space<vmem>>
      %dma_wait3A_250 = tpu.memref_squeeze %dma_wait3A_249 : memref<1x16x8x128xf32, #tpu.memory_space<vmem>> -> memref<16x8x128xf32, #tpu.memory_space<vmem>>
      %dma_wait3A_251 = arith.constant 0 : i32
      %dma_wait3A_252 = arith.constant 0 : i32
      %dma_wait3A_253 = arith.constant 0 : i32
      %dma_wait3A_254 = tpu.memref_slice %arg2[%dma_wait3A_234, %dma_wait3A_251, %dma_wait3A_252, %dma_wait3A_253] : memref<2x8192x8x128xf32, #tpu.memory_space<hbm>> -> memref<1x16x8x128xf32, #tpu.memory_space<hbm>>
      %dma_wait3A_255 = tpu.memref_squeeze %dma_wait3A_254 : memref<1x16x8x128xf32, #tpu.memory_space<hbm>> -> memref<16x8x128xf32, #tpu.memory_space<hbm>>
      tpu.wait_dma2 semaphore(%arg11 : memref<!tpu.dma_semaphore, #tpu.memory_space<semaphore_mem>>) src(%dma_wait3A_255 : memref<16x8x128xf32, #tpu.memory_space<hbm>>) dst(%dma_wait3A_250 : memref<16x8x128xf32, #tpu.memory_space<vmem>>)
      %ge3A_256 = arith.constant 2 : i32
      %ge3A_257 = arith.cmpi sge, %add3A_211, %ge3A_256 : i32
      %convert_element_type3A_258 = arith.extui %ge3A_257 : i1 to i32
      %cond3A_259 = arith.constant 0 : i32
      %cond3A_260 = arith.cmpi ne, %convert_element_type3A_258, %cond3A_259 : i32
      scf.if %cond3A_260 {
        %dma_wait3A_280 = arith.constant 0 : i32
        %dma_wait3A_281 = arith.constant 0 : i32
        %dma_wait3A_282 = arith.constant 0 : i32
        %dma_wait3A_283 = tpu.memref_slice %arg4[%dma_wait3A_280, %dma_wait3A_281, %dma_wait3A_282] : memref<8192x4x128xf32, #tpu.memory_space<hbm>> -> memref<16x4x128xf32, #tpu.memory_space<hbm>>
        %dma_wait3A_284 = arith.constant 0 : i32
        %dma_wait3A_285 = arith.constant 0 : i32
        %dma_wait3A_286 = arith.constant 0 : i32
        %dma_wait3A_287 = tpu.memref_slice %arg4[%dma_wait3A_284, %dma_wait3A_285, %dma_wait3A_286] : memref<8192x4x128xf32, #tpu.memory_space<hbm>> -> memref<16x4x128xf32, #tpu.memory_space<hbm>>
        tpu.wait_dma2 semaphore(%arg13 : memref<!tpu.dma_semaphore, #tpu.memory_space<semaphore_mem>>) src(%arg8 : memref<16x4x128xf32, #tpu.memory_space<vmem>>) dst(%dma_wait3A_287 : memref<16x4x128xf32, #tpu.memory_space<hbm>>)
      } else {
      }
      %parallel_loop3A_261 = arith.constant 0 : i32
      %parallel_loop3A_262 = arith.constant 128 : i32
      %parallel_loop3A_263 = arith.constant 1 : i32
      scf.for %parallel_loop3A_280 = %parallel_loop3A_261 to %parallel_loop3A_262 step %parallel_loop3A_263  : i32 {
        %parallel_loop3A_281 = arith.constant 3 : i32
        %parallel_loop3A_282 = arith.shrsi %parallel_loop3A_280, %parallel_loop3A_281 : i32
        %parallel_loop3A_283 = arith.constant 7 : i32
        %parallel_loop3A_284 = arith.andi %parallel_loop3A_280, %parallel_loop3A_283 : i32
        %parallel_loop3A_285 = arith.constant 16 : i32
        %parallel_loop3A_286 = arith.muli %parallel_loop3A_284, %parallel_loop3A_285 : i32
        %parallel_loop3A_287 = arith.constant 0 : i32
        %parallel_loop3A_288 = arith.constant 0 : i32
        %parallel_loop3A_289 = arith.index_cast %parallel_loop3A_287 : i32 to index
        %parallel_loop3A_290 = arith.index_cast %parallel_loop3A_282 : i32 to index
        %parallel_loop3A_291 = arith.index_cast %parallel_loop3A_288 : i32 to index
        %parallel_loop3A_292 = arith.index_cast %parallel_loop3A_286 : i32 to index
        %parallel_loop3A_293 = tpu.vector_load %arg6[%parallel_loop3A_289, %parallel_loop3A_290, %parallel_loop3A_291, %parallel_loop3A_292] {strides = array<i32>} : memref<2x16x8x128xf32, #tpu.memory_space<vmem>>, vector<16xf32>,
        %parallel_loop3A_294 = arith.constant 0 : i32
        %parallel_loop3A_295 = arith.constant 1 : i32
        %parallel_loop3A_296 = arith.index_cast %parallel_loop3A_294 : i32 to index
        %parallel_loop3A_297 = arith.index_cast %parallel_loop3A_282 : i32 to index
        %parallel_loop3A_298 = arith.index_cast %parallel_loop3A_295 : i32 to index
        %parallel_loop3A_299 = arith.index_cast %parallel_loop3A_286 : i32 to index
        %parallel_loop3A_300 = tpu.vector_load %arg6[%parallel_loop3A_296, %parallel_loop3A_297, %parallel_loop3A_298, %parallel_loop3A_299] {strides = array<i32>} : memref<2x16x8x128xf32, #tpu.memory_space<vmem>>, vector<16xf32>,
        %parallel_loop3A_301 = arith.constant 0 : i32
        %parallel_loop3A_302 = arith.constant 2 : i32
        %parallel_loop3A_303 = arith.index_cast %parallel_loop3A_301 : i32 to index
        %parallel_loop3A_304 = arith.index_cast %parallel_loop3A_282 : i32 to index
        %parallel_loop3A_305 = arith.index_cast %parallel_loop3A_302 : i32 to index
        %parallel_loop3A_306 = arith.index_cast %parallel_loop3A_286 : i32 to index
        %parallel_loop3A_307 = tpu.vector_load %arg6[%parallel_loop3A_303, %parallel_loop3A_304, %parallel_loop3A_305, %parallel_loop3A_306] {strides = array<i32>} : memref<2x16x8x128xf32, #tpu.memory_space<vmem>>, vector<16xf32>,
        %parallel_loop3A_308 = arith.constant 0 : i32
        %parallel_loop3A_309 = arith.constant 3 : i32
        %parallel_loop3A_310 = arith.index_cast %parallel_loop3A_308 : i32 to index
        %parallel_loop3A_311 = arith.index_cast %parallel_loop3A_282 : i32 to index
        %parallel_loop3A_312 = arith.index_cast %parallel_loop3A_309 : i32 to index
        %parallel_loop3A_313 = arith.index_cast %parallel_loop3A_286 : i32 to index
        %parallel_loop3A_314 = tpu.vector_load %arg6[%parallel_loop3A_310, %parallel_loop3A_311, %parallel_loop3A_312, %parallel_loop3A_313] {strides = array<i32>} : memref<2x16x8x128xf32, #tpu.memory_space<vmem>>, vector<16xf32>,
        %parallel_loop3A_315 = arith.constant 0 : i32
        %parallel_loop3A_316 = arith.constant 4 : i32
        %parallel_loop3A_317 = arith.index_cast %parallel_loop3A_315 : i32 to index
        %parallel_loop3A_318 = arith.index_cast %parallel_loop3A_282 : i32 to index
        %parallel_loop3A_319 = arith.index_cast %parallel_loop3A_316 : i32 to index
        %parallel_loop3A_320 = arith.index_cast %parallel_loop3A_286 : i32 to index
        %parallel_loop3A_321 = tpu.vector_load %arg6[%parallel_loop3A_317, %parallel_loop3A_318, %parallel_loop3A_319, %parallel_loop3A_320] {strides = array<i32>} : memref<2x16x8x128xf32, #tpu.memory_space<vmem>>, vector<16xf32>,
        %parallel_loop3A_322 = arith.constant 0 : i32
        %parallel_loop3A_323 = arith.constant 5 : i32
        %parallel_loop3A_324 = arith.index_cast %parallel_loop3A_322 : i32 to index
        %parallel_loop3A_325 = arith.index_cast %parallel_loop3A_282 : i32 to index
        %parallel_loop3A_326 = arith.index_cast %parallel_loop3A_323 : i32 to index
        %parallel_loop3A_327 = arith.index_cast %parallel_loop3A_286 : i32 to index
        %parallel_loop3A_328 = tpu.vector_load %arg6[%parallel_loop3A_324, %parallel_loop3A_325, %parallel_loop3A_326, %parallel_loop3A_327] {strides = array<i32>} : memref<2x16x8x128xf32, #tpu.memory_space<vmem>>, vector<16xf32>,
        %parallel_loop3A_329 = arith.constant 0 : i32
        %parallel_loop3A_330 = arith.constant 6 : i32
        %parallel_loop3A_331 = arith.index_cast %parallel_loop3A_329 : i32 to index
        %parallel_loop3A_332 = arith.index_cast %parallel_loop3A_282 : i32 to index
        %parallel_loop3A_333 = arith.index_cast %parallel_loop3A_330 : i32 to index
        %parallel_loop3A_334 = arith.index_cast %parallel_loop3A_286 : i32 to index
        %parallel_loop3A_335 = tpu.vector_load %arg6[%parallel_loop3A_331, %parallel_loop3A_332, %parallel_loop3A_333, %parallel_loop3A_334] {strides = array<i32>} : memref<2x16x8x128xf32, #tpu.memory_space<vmem>>, vector<16xf32>,
        %parallel_loop3A_336 = arith.constant 0 : i32
        %parallel_loop3A_337 = arith.constant 7 : i32
        %parallel_loop3A_338 = arith.index_cast %parallel_loop3A_336 : i32 to index
        %parallel_loop3A_339 = arith.index_cast %parallel_loop3A_282 : i32 to index
        %parallel_loop3A_340 = arith.index_cast %parallel_loop3A_337 : i32 to index
        %parallel_loop3A_341 = arith.index_cast %parallel_loop3A_286 : i32 to index
        %parallel_loop3A_342 = tpu.vector_load %arg6[%parallel_loop3A_338, %parallel_loop3A_339, %parallel_loop3A_340, %parallel_loop3A_341] {strides = array<i32>} : memref<2x16x8x128xf32, #tpu.memory_space<vmem>>, vector<16xf32>,
        %parallel_loop3A_343 = arith.constant 1 : i32
        %parallel_loop3A_344 = arith.constant 0 : i32
        %parallel_loop3A_345 = arith.index_cast %parallel_loop3A_343 : i32 to index
        %parallel_loop3A_346 = arith.index_cast %parallel_loop3A_282 : i32 to index
        %parallel_loop3A_347 = arith.index_cast %parallel_loop3A_344 : i32 to index
        %parallel_loop3A_348 = arith.index_cast %parallel_loop3A_286 : i32 to index
        %parallel_loop3A_349 = tpu.vector_load %arg6[%parallel_loop3A_345, %parallel_loop3A_346, %parallel_loop3A_347, %parallel_loop3A_348] {strides = array<i32>} : memref<2x16x8x128xf32, #tpu.memory_space<vmem>>, vector<16xf32>,
        %parallel_loop3A_350 = arith.constant 1 : i32
        %parallel_loop3A_351 = arith.constant 1 : i32
        %parallel_loop3A_352 = arith.index_cast %parallel_loop3A_350 : i32 to index
        %parallel_loop3A_353 = arith.index_cast %parallel_loop3A_282 : i32 to index
        %parallel_loop3A_354 = arith.index_cast %parallel_loop3A_351 : i32 to index
        %parallel_loop3A_355 = arith.index_cast %parallel_loop3A_286 : i32 to index
        %parallel_loop3A_356 = tpu.vector_load %arg6[%parallel_loop3A_352, %parallel_loop3A_353, %parallel_loop3A_354, %parallel_loop3A_355] {strides = array<i32>} : memref<2x16x8x128xf32, #tpu.memory_space<vmem>>, vector<16xf32>,
        %parallel_loop3A_357 = arith.constant 1 : i32
        %parallel_loop3A_358 = arith.constant 2 : i32
        %parallel_loop3A_359 = arith.index_cast %parallel_loop3A_357 : i32 to index
        %parallel_loop3A_360 = arith.index_cast %parallel_loop3A_282 : i32 to index
        %parallel_loop3A_361 = arith.index_cast %parallel_loop3A_358 : i32 to index
        %parallel_loop3A_362 = arith.index_cast %parallel_loop3A_286 : i32 to index
        %parallel_loop3A_363 = tpu.vector_load %arg6[%parallel_loop3A_359, %parallel_loop3A_360, %parallel_loop3A_361, %parallel_loop3A_362] {strides = array<i32>} : memref<2x16x8x128xf32, #tpu.memory_space<vmem>>, vector<16xf32>,
        %parallel_loop3A_364 = arith.constant 1 : i32
        %parallel_loop3A_365 = arith.constant 3 : i32
        %parallel_loop3A_366 = arith.index_cast %parallel_loop3A_364 : i32 to index
        %parallel_loop3A_367 = arith.index_cast %parallel_loop3A_282 : i32 to index
        %parallel_loop3A_368 = arith.index_cast %parallel_loop3A_365 : i32 to index
        %parallel_loop3A_369 = arith.index_cast %parallel_loop3A_286 : i32 to index
        %parallel_loop3A_370 = tpu.vector_load %arg6[%parallel_loop3A_366, %parallel_loop3A_367, %parallel_loop3A_368, %parallel_loop3A_369] {strides = array<i32>} : memref<2x16x8x128xf32, #tpu.memory_space<vmem>>, vector<16xf32>,
        %parallel_loop3A_371 = arith.constant 1 : i32
        %parallel_loop3A_372 = arith.constant 4 : i32
        %parallel_loop3A_373 = arith.index_cast %parallel_loop3A_371 : i32 to index
        %parallel_loop3A_374 = arith.index_cast %parallel_loop3A_282 : i32 to index
        %parallel_loop3A_375 = arith.index_cast %parallel_loop3A_372 : i32 to index
        %parallel_loop3A_376 = arith.index_cast %parallel_loop3A_286 : i32 to index
        %parallel_loop3A_377 = tpu.vector_load %arg6[%parallel_loop3A_373, %parallel_loop3A_374, %parallel_loop3A_375, %parallel_loop3A_376] {strides = array<i32>} : memref<2x16x8x128xf32, #tpu.memory_space<vmem>>, vector<16xf32>,
        %parallel_loop3A_378 = arith.constant 1 : i32
        %parallel_loop3A_379 = arith.constant 5 : i32
        %parallel_loop3A_380 = arith.index_cast %parallel_loop3A_378 : i32 to index
        %parallel_loop3A_381 = arith.index_cast %parallel_loop3A_282 : i32 to index
        %parallel_loop3A_382 = arith.index_cast %parallel_loop3A_379 : i32 to index
        %parallel_loop3A_383 = arith.index_cast %parallel_loop3A_286 : i32 to index
        %parallel_loop3A_384 = tpu.vector_load %arg6[%parallel_loop3A_380, %parallel_loop3A_381, %parallel_loop3A_382, %parallel_loop3A_383] {strides = array<i32>} : memref<2x16x8x128xf32, #tpu.memory_space<vmem>>, vector<16xf32>,
        %parallel_loop3A_385 = arith.constant 1 : i32
        %parallel_loop3A_386 = arith.constant 6 : i32
        %parallel_loop3A_387 = arith.index_cast %parallel_loop3A_385 : i32 to index
        %parallel_loop3A_388 = arith.index_cast %parallel_loop3A_282 : i32 to index
        %parallel_loop3A_389 = arith.index_cast %parallel_loop3A_386 : i32 to index
        %parallel_loop3A_390 = arith.index_cast %parallel_loop3A_286 : i32 to index
        %parallel_loop3A_391 = tpu.vector_load %arg6[%parallel_loop3A_387, %parallel_loop3A_388, %parallel_loop3A_389, %parallel_loop3A_390] {strides = array<i32>} : memref<2x16x8x128xf32, #tpu.memory_space<vmem>>, vector<16xf32>,
        %parallel_loop3A_392 = arith.constant 1 : i32
        %parallel_loop3A_393 = arith.constant 7 : i32
        %parallel_loop3A_394 = arith.index_cast %parallel_loop3A_392 : i32 to index
        %parallel_loop3A_395 = arith.index_cast %parallel_loop3A_282 : i32 to index
        %parallel_loop3A_396 = arith.index_cast %parallel_loop3A_393 : i32 to index
        %parallel_loop3A_397 = arith.index_cast %parallel_loop3A_286 : i32 to index
        %parallel_loop3A_398 = tpu.vector_load %arg6[%parallel_loop3A_394, %parallel_loop3A_395, %parallel_loop3A_396, %parallel_loop3A_397] {strides = array<i32>} : memref<2x16x8x128xf32, #tpu.memory_space<vmem>>, vector<16xf32>,
        %parallel_loop3A_399 = arith.cmpf ogt, %parallel_loop3A_300, %parallel_loop3A_293 : vector<16xf32>
        %parallel_loop3A_400 = arith.select %parallel_loop3A_399, %parallel_loop3A_300, %parallel_loop3A_293 : vector<16xi1>, vector<16xf32>
        %parallel_loop3A_401 = arith.select %parallel_loop3A_399, %broadcast_in_dim3A_5, %broadcast_in_dim3A_3 : vector<16xi1>, vector<16xi32>
        %parallel_loop3A_402 = arith.cmpf ogt, %parallel_loop3A_314, %parallel_loop3A_307 : vector<16xf32>
        %parallel_loop3A_403 = arith.select %parallel_loop3A_402, %parallel_loop3A_314, %parallel_loop3A_307 : vector<16xi1>, vector<16xf32>
        %parallel_loop3A_404 = arith.select %parallel_loop3A_402, %broadcast_in_dim3A_9, %broadcast_in_dim3A_7 : vector<16xi1>, vector<16xi32>
        %parallel_loop3A_405 = arith.cmpf ogt, %parallel_loop3A_328, %parallel_loop3A_321 : vector<16xf32>
        %parallel_loop3A_406 = arith.select %parallel_loop3A_405, %parallel_loop3A_328, %parallel_loop3A_321 : vector<16xi1>, vector<16xf32>
        %parallel_loop3A_407 = arith.select %parallel_loop3A_405, %broadcast_in_dim3A_13, %broadcast_in_dim3A_11 : vector<16xi1>, vector<16xi32>
        %parallel_loop3A_408 = arith.cmpf ogt, %parallel_loop3A_342, %parallel_loop3A_335 : vector<16xf32>
        %parallel_loop3A_409 = arith.select %parallel_loop3A_408, %parallel_loop3A_342, %parallel_loop3A_335 : vector<16xi1>, vector<16xf32>
        %parallel_loop3A_410 = arith.select %parallel_loop3A_408, %broadcast_in_dim3A_17, %broadcast_in_dim3A_15 : vector<16xi1>, vector<16xi32>
        %parallel_loop3A_411 = arith.cmpf ogt, %parallel_loop3A_356, %parallel_loop3A_349 : vector<16xf32>
        %parallel_loop3A_412 = arith.select %parallel_loop3A_411, %parallel_loop3A_356, %parallel_loop3A_349 : vector<16xi1>, vector<16xf32>
        %parallel_loop3A_413 = arith.select %parallel_loop3A_411, %broadcast_in_dim3A_21, %broadcast_in_dim3A_19 : vector<16xi1>, vector<16xi32>
        %parallel_loop3A_414 = arith.cmpf ogt, %parallel_loop3A_370, %parallel_loop3A_363 : vector<16xf32>
        %parallel_loop3A_415 = arith.select %parallel_loop3A_414, %parallel_loop3A_370, %parallel_loop3A_363 : vector<16xi1>, vector<16xf32>
        %parallel_loop3A_416 = arith.select %parallel_loop3A_414, %broadcast_in_dim3A_25, %broadcast_in_dim3A_23 : vector<16xi1>, vector<16xi32>
        %parallel_loop3A_417 = arith.cmpf ogt, %parallel_loop3A_384, %parallel_loop3A_377 : vector<16xf32>
        %parallel_loop3A_418 = arith.select %parallel_loop3A_417, %parallel_loop3A_384, %parallel_loop3A_377 : vector<16xi1>, vector<16xf32>
        %parallel_loop3A_419 = arith.select %parallel_loop3A_417, %broadcast_in_dim3A_29, %broadcast_in_dim3A_27 : vector<16xi1>, vector<16xi32>
        %parallel_loop3A_420 = arith.cmpf ogt, %parallel_loop3A_398, %parallel_loop3A_391 : vector<16xf32>
        %parallel_loop3A_421 = arith.select %parallel_loop3A_420, %parallel_loop3A_398, %parallel_loop3A_391 : vector<16xi1>, vector<16xf32>
        %parallel_loop3A_422 = arith.select %parallel_loop3A_420, %broadcast_in_dim3A_33, %broadcast_in_dim3A_31 : vector<16xi1>, vector<16xi32>
        %parallel_loop3A_423 = arith.cmpf ogt, %parallel_loop3A_403, %parallel_loop3A_400 : vector<16xf32>
        %parallel_loop3A_424 = arith.select %parallel_loop3A_423, %parallel_loop3A_403, %parallel_loop3A_400 : vector<16xi1>, vector<16xf32>
        %parallel_loop3A_425 = arith.select %parallel_loop3A_423, %parallel_loop3A_404, %parallel_loop3A_401 : vector<16xi1>, vector<16xi32>
        %parallel_loop3A_426 = arith.cmpf ogt, %parallel_loop3A_409, %parallel_loop3A_406 : vector<16xf32>
        %parallel_loop3A_427 = arith.select %parallel_loop3A_426, %parallel_loop3A_409, %parallel_loop3A_406 : vector<16xi1>, vector<16xf32>
        %parallel_loop3A_428 = arith.select %parallel_loop3A_426, %parallel_loop3A_410, %parallel_loop3A_407 : vector<16xi1>, vector<16xi32>
        %parallel_loop3A_429 = arith.cmpf ogt, %parallel_loop3A_415, %parallel_loop3A_412 : vector<16xf32>
        %parallel_loop3A_430 = arith.select %parallel_loop3A_429, %parallel_loop3A_415, %parallel_loop3A_412 : vector<16xi1>, vector<16xf32>
        %parallel_loop3A_431 = arith.select %parallel_loop3A_429, %parallel_loop3A_416, %parallel_loop3A_413 : vector<16xi1>, vector<16xi32>
        %parallel_loop3A_432 = arith.cmpf ogt, %parallel_loop3A_421, %parallel_loop3A_418 : vector<16xf32>
        %parallel_loop3A_433 = arith.select %parallel_loop3A_432, %parallel_loop3A_421, %parallel_loop3A_418 : vector<16xi1>, vector<16xf32>
        %parallel_loop3A_434 = arith.select %parallel_loop3A_432, %parallel_loop3A_422, %parallel_loop3A_419 : vector<16xi1>, vector<16xi32>
        %parallel_loop3A_435 = arith.cmpf ogt, %parallel_loop3A_427, %parallel_loop3A_424 : vector<16xf32>
        %parallel_loop3A_436 = arith.select %parallel_loop3A_435, %parallel_loop3A_427, %parallel_loop3A_424 : vector<16xi1>, vector<16xf32>
        %parallel_loop3A_437 = arith.select %parallel_loop3A_435, %parallel_loop3A_428, %parallel_loop3A_425 : vector<16xi1>, vector<16xi32>
        %parallel_loop3A_438 = arith.cmpf ogt, %parallel_loop3A_433, %parallel_loop3A_430 : vector<16xf32>
        %parallel_loop3A_439 = arith.select %parallel_loop3A_438, %parallel_loop3A_433, %parallel_loop3A_430 : vector<16xi1>, vector<16xf32>
        %parallel_loop3A_440 = arith.select %parallel_loop3A_438, %parallel_loop3A_434, %parallel_loop3A_431 : vector<16xi1>, vector<16xi32>
        %parallel_loop3A_441 = arith.cmpf ogt, %parallel_loop3A_439, %parallel_loop3A_436 : vector<16xf32>
        %parallel_loop3A_442 = arith.select %parallel_loop3A_441, %parallel_loop3A_439, %parallel_loop3A_436 : vector<16xi1>, vector<16xf32>
        %parallel_loop3A_443 = arith.select %parallel_loop3A_441, %parallel_loop3A_440, %parallel_loop3A_437 : vector<16xi1>, vector<16xi32>
        %parallel_loop3A_444 = tpu.vector_load_idx %arg9[%parallel_loop3A_443, %broadcast_in_dim3A_3] : memref<16x4xf32, #tpu.memory_space<vmem>>[vector<16xi32>, vector<16xi32>], vector<16xf32>,
        %parallel_loop3A_445 = arith.constant 0 : i32
        %parallel_loop3A_446 = arith.index_cast %parallel_loop3A_282 : i32 to index
        %parallel_loop3A_447 = arith.index_cast %parallel_loop3A_445 : i32 to index
        %parallel_loop3A_448 = arith.index_cast %parallel_loop3A_286 : i32 to index
        %parallel_loop3A_449 = tpu.vector_load %arg8[%parallel_loop3A_446, %parallel_loop3A_447, %parallel_loop3A_448] {strides = array<i32>} : memref<16x4x128xf32, #tpu.memory_space<vmem>>, vector<16xf32>,
        tpu.vector_store %arg8[%parallel_loop3A_446, %parallel_loop3A_447, %parallel_loop3A_448], %parallel_loop3A_444 {strides = array<i32>} : memref<16x4x128xf32, #tpu.memory_space<vmem>>, vector<16xf32>,
        %parallel_loop3A_450 = tpu.vector_load_idx %arg9[%parallel_loop3A_443, %broadcast_in_dim3A_5] : memref<16x4xf32, #tpu.memory_space<vmem>>[vector<16xi32>, vector<16xi32>], vector<16xf32>,
        %parallel_loop3A_451 = arith.constant 1 : i32
        %parallel_loop3A_452 = arith.index_cast %parallel_loop3A_282 : i32 to index
        %parallel_loop3A_453 = arith.index_cast %parallel_loop3A_451 : i32 to index
        %parallel_loop3A_454 = arith.index_cast %parallel_loop3A_286 : i32 to index
        %parallel_loop3A_455 = tpu.vector_load %arg8[%parallel_loop3A_452, %parallel_loop3A_453, %parallel_loop3A_454] {strides = array<i32>} : memref<16x4x128xf32, #tpu.memory_space<vmem>>, vector<16xf32>,
        tpu.vector_store %arg8[%parallel_loop3A_452, %parallel_loop3A_453, %parallel_loop3A_454], %parallel_loop3A_450 {strides = array<i32>} : memref<16x4x128xf32, #tpu.memory_space<vmem>>, vector<16xf32>,
        %parallel_loop3A_456 = tpu.vector_load_idx %arg9[%parallel_loop3A_443, %broadcast_in_dim3A_7] : memref<16x4xf32, #tpu.memory_space<vmem>>[vector<16xi32>, vector<16xi32>], vector<16xf32>,
        %parallel_loop3A_457 = arith.constant 2 : i32
        %parallel_loop3A_458 = arith.index_cast %parallel_loop3A_282 : i32 to index
        %parallel_loop3A_459 = arith.index_cast %parallel_loop3A_457 : i32 to index
        %parallel_loop3A_460 = arith.index_cast %parallel_loop3A_286 : i32 to index
        %parallel_loop3A_461 = tpu.vector_load %arg8[%parallel_loop3A_458, %parallel_loop3A_459, %parallel_loop3A_460] {strides = array<i32>} : memref<16x4x128xf32, #tpu.memory_space<vmem>>, vector<16xf32>,
        tpu.vector_store %arg8[%parallel_loop3A_458, %parallel_loop3A_459, %parallel_loop3A_460], %parallel_loop3A_456 {strides = array<i32>} : memref<16x4x128xf32, #tpu.memory_space<vmem>>, vector<16xf32>,
        %parallel_loop3A_462 = tpu.vector_load_idx %arg9[%parallel_loop3A_443, %broadcast_in_dim3A_9] : memref<16x4xf32, #tpu.memory_space<vmem>>[vector<16xi32>, vector<16xi32>], vector<16xf32>,
        %parallel_loop3A_463 = arith.constant 3 : i32
        %parallel_loop3A_464 = arith.index_cast %parallel_loop3A_282 : i32 to index
        %parallel_loop3A_465 = arith.index_cast %parallel_loop3A_463 : i32 to index
        %parallel_loop3A_466 = arith.index_cast %parallel_loop3A_286 : i32 to index
        %parallel_loop3A_467 = tpu.vector_load %arg8[%parallel_loop3A_464, %parallel_loop3A_465, %parallel_loop3A_466] {strides = array<i32>} : memref<16x4x128xf32, #tpu.memory_space<vmem>>, vector<16xf32>,
        tpu.vector_store %arg8[%parallel_loop3A_464, %parallel_loop3A_465, %parallel_loop3A_466], %parallel_loop3A_462 {strides = array<i32>} : memref<16x4x128xf32, #tpu.memory_space<vmem>>, vector<16xf32>,
      } {sc.loop_unroll_factor = 2 : i64, sc.parallel_access}
      %mul3A_264 = arith.constant 16 : i32
      %mul3A_265 = arith.muli %add3A_211, %mul3A_264 : i32
      %add3A_266 = arith.addi %mul3A_2, %mul3A_265 : i32
      %dma_start3A_267 = arith.constant 0 : i32
      %dma_start3A_268 = arith.constant 0 : i32
      %dma_start3A_269 = tpu.memref_slice %arg4[%add3A_266, %dma_start3A_267, %dma_start3A_268] : memref<8192x4x128xf32, #tpu.memory_space<hbm>> -> memref<16x4x128xf32, #tpu.memory_space<hbm>>
      %dma_start3A_270 = arith.constant 0 : i32
      %dma_start3A_271 = arith.constant 0 : i32
      %dma_start3A_272 = tpu.memref_slice %arg4[%add3A_266, %dma_start3A_270, %dma_start3A_271] : memref<8192x4x128xf32, #tpu.memory_space<hbm>> -> memref<16x4x128xf32, #tpu.memory_space<hbm>>
      tpu.enqueue_dma source(%arg8 : memref<16x4x128xf32, #tpu.memory_space<vmem>>) target(%dma_start3A_272 : memref<16x4x128xf32, #tpu.memory_space<hbm>>) target_semaphore(%arg13 : memref<!tpu.dma_semaphore, #tpu.memory_space<semaphore_mem>>)
      %add3A_273 = arith.constant 2 : i32
      %add3A_274 = arith.addi %add3A_211, %add3A_273 : i32
      %lt3A_275 = arith.constant 16 : i32
      %lt3A_276 = arith.cmpi slt, %add3A_274, %lt3A_275 : i32
      %convert_element_type3A_277 = arith.extui %lt3A_276 : i1 to i32
      %cond3A_278 = arith.constant 0 : i32
      %cond3A_279 = arith.cmpi ne, %convert_element_type3A_277, %cond3A_278 : i32
      scf.if %cond3A_279 {
        %add3A_280 = arith.constant 2 : i32
        %add3A_281 = arith.addi %add3A_211, %add3A_280 : i32
        %mul3A_282 = arith.constant 16 : i32
        %mul3A_283 = arith.muli %add3A_281, %mul3A_282 : i32
        %add3A_284 = arith.addi %mul3A_2, %mul3A_283 : i32
        %dma_start3A_285 = arith.constant 0 : i32
        %dma_start3A_286 = arith.constant 0 : i32
        %dma_start3A_287 = arith.constant 0 : i32
        %dma_start3A_288 = arith.constant 0 : i32
        %dma_start3A_289 = arith.constant 0 : i32
        %dma_start3A_290 = tpu.memref_slice %arg6[%dma_start3A_286, %dma_start3A_287, %dma_start3A_288, %dma_start3A_289] : memref<2x16x8x128xf32, #tpu.memory_space<vmem>> -> memref<1x16x8x128xf32, #tpu.memory_space<vmem>>
        %dma_start3A_291 = tpu.memref_squeeze %dma_start3A_290 : memref<1x16x8x128xf32, #tpu.memory_space<vmem>> -> memref<16x8x128xf32, #tpu.memory_space<vmem>>
        %dma_start3A_292 = arith.constant 0 : i32
        %dma_start3A_293 = arith.constant 0 : i32
        %dma_start3A_294 = tpu.memref_slice %arg2[%dma_start3A_285, %add3A_284, %dma_start3A_292, %dma_start3A_293] : memref<2x8192x8x128xf32, #tpu.memory_space<hbm>> -> memref<1x16x8x128xf32, #tpu.memory_space<hbm>>
        %dma_start3A_295 = tpu.memref_squeeze %dma_start3A_294 : memref<1x16x8x128xf32, #tpu.memory_space<hbm>> -> memref<16x8x128xf32, #tpu.memory_space<hbm>>
        %dma_start3A_296 = arith.constant 0 : i32
        %dma_start3A_297 = arith.constant 0 : i32
        %dma_start3A_298 = arith.constant 0 : i32
        %dma_start3A_299 = tpu.memref_slice %arg6[%dma_start3A_286, %dma_start3A_296, %dma_start3A_297, %dma_start3A_298] : memref<2x16x8x128xf32, #tpu.memory_space<vmem>> -> memref<1x16x8x128xf32, #tpu.memory_space<vmem>>
        %dma_start3A_300 = tpu.memref_squeeze %dma_start3A_299 : memref<1x16x8x128xf32, #tpu.memory_space<vmem>> -> memref<16x8x128xf32, #tpu.memory_space<vmem>>
        %dma_start3A_301 = arith.constant 0 : i32
        %dma_start3A_302 = arith.constant 0 : i32
        %dma_start3A_303 = tpu.memref_slice %arg2[%dma_start3A_285, %add3A_284, %dma_start3A_301, %dma_start3A_302] : memref<2x8192x8x128xf32, #tpu.memory_space<hbm>> -> memref<1x16x8x128xf32, #tpu.memory_space<hbm>>
        %dma_start3A_304 = tpu.memref_squeeze %dma_start3A_303 : memref<1x16x8x128xf32, #tpu.memory_space<hbm>> -> memref<16x8x128xf32, #tpu.memory_space<hbm>>
        tpu.enqueue_dma source(%dma_start3A_304 : memref<16x8x128xf32, #tpu.memory_space<hbm>>) target(%dma_start3A_300 : memref<16x8x128xf32, #tpu.memory_space<vmem>>) target_semaphore(%arg11 : memref<!tpu.dma_semaphore, #tpu.memory_space<semaphore_mem>>)
        %dma_start3A_305 = arith.constant 1 : i32
        %dma_start3A_306 = arith.constant 1 : i32
        %dma_start3A_307 = arith.constant 0 : i32
        %dma_start3A_308 = arith.constant 0 : i32
        %dma_start3A_309 = arith.constant 0 : i32
        %dma_start3A_310 = tpu.memref_slice %arg6[%dma_start3A_306, %dma_start3A_307, %dma_start3A_308, %dma_start3A_309] : memref<2x16x8x128xf32, #tpu.memory_space<vmem>> -> memref<1x16x8x128xf32, #tpu.memory_space<vmem>>
        %dma_start3A_311 = tpu.memref_squeeze %dma_start3A_310 : memref<1x16x8x128xf32, #tpu.memory_space<vmem>> -> memref<16x8x128xf32, #tpu.memory_space<vmem>>
        %dma_start3A_312 = arith.constant 0 : i32
        %dma_start3A_313 = arith.constant 0 : i32
        %dma_start3A_314 = tpu.memref_slice %arg2[%dma_start3A_305, %add3A_284, %dma_start3A_312, %dma_start3A_313] : memref<2x8192x8x128xf32, #tpu.memory_space<hbm>> -> memref<1x16x8x128xf32, #tpu.memory_space<hbm>>
        %dma_start3A_315 = tpu.memref_squeeze %dma_start3A_314 : memref<1x16x8x128xf32, #tpu.memory_space<hbm>> -> memref<16x8x128xf32, #tpu.memory_space<hbm>>
        %dma_start3A_316 = arith.constant 0 : i32
        %dma_start3A_317 = arith.constant 0 : i32
        %dma_start3A_318 = arith.constant 0 : i32
        %dma_start3A_319 = tpu.memref_slice %arg6[%dma_start3A_306, %dma_start3A_316, %dma_start3A_317, %dma_start3A_318] : memref<2x16x8x128xf32, #tpu.memory_space<vmem>> -> memref<1x16x8x128xf32, #tpu.memory_space<vmem>>
        %dma_start3A_320 = tpu.memref_squeeze %dma_start3A_319 : memref<1x16x8x128xf32, #tpu.memory_space<vmem>> -> memref<16x8x128xf32, #tpu.memory_space<vmem>>
        %dma_start3A_321 = arith.constant 0 : i32
        %dma_start3A_322 = arith.constant 0 : i32
        %dma_start3A_323 = tpu.memref_slice %arg2[%dma_start3A_305, %add3A_284, %dma_start3A_321, %dma_start3A_322] : memref<2x8192x8x128xf32, #tpu.memory_space<hbm>> -> memref<1x16x8x128xf32, #tpu.memory_space<hbm>>
        %dma_start3A_324 = tpu.memref_squeeze %dma_start3A_323 : memref<1x16x8x128xf32, #tpu.memory_space<hbm>> -> memref<16x8x128xf32, #tpu.memory_space<hbm>>
        tpu.enqueue_dma source(%dma_start3A_324 : memref<16x8x128xf32, #tpu.memory_space<hbm>>) target(%dma_start3A_320 : memref<16x8x128xf32, #tpu.memory_space<vmem>>) target_semaphore(%arg11 : memref<!tpu.dma_semaphore, #tpu.memory_space<semaphore_mem>>)
      } else {
      }
    }
    %scan3A_120 = arith.constant 8 : i32
    %dma_wait3A = arith.constant 0 : i32
    %dma_wait3A_121 = arith.constant 0 : i32
    %dma_wait3A_122 = arith.constant 0 : i32
    %dma_wait3A_123 = tpu.memref_slice %arg4[%dma_wait3A, %dma_wait3A_121, %dma_wait3A_122] : memref<8192x4x128xf32, #tpu.memory_space<hbm>> -> memref<16x4x128xf32, #tpu.memory_space<hbm>>
    %dma_wait3A_124 = arith.constant 0 : i32
    %dma_wait3A_125 = arith.constant 0 : i32
    %dma_wait3A_126 = arith.constant 0 : i32
    %dma_wait3A_127 = tpu.memref_slice %arg4[%dma_wait3A_124, %dma_wait3A_125, %dma_wait3A_126] : memref<8192x4x128xf32, #tpu.memory_space<hbm>> -> memref<16x4x128xf32, #tpu.memory_space<hbm>>
    tpu.wait_dma2 semaphore(%arg12 : memref<!tpu.dma_semaphore, #tpu.memory_space<semaphore_mem>>) src(%arg7 : memref<16x4x128xf32, #tpu.memory_space<vmem>>) dst(%dma_wait3A_127 : memref<16x4x128xf32, #tpu.memory_space<hbm>>)
    %dma_wait3A_128 = arith.constant 0 : i32
    %dma_wait3A_129 = arith.constant 0 : i32
    %dma_wait3A_130 = arith.constant 0 : i32
    %dma_wait3A_131 = tpu.memref_slice %arg4[%dma_wait3A_128, %dma_wait3A_129, %dma_wait3A_130] : memref<8192x4x128xf32, #tpu.memory_space<hbm>> -> memref<16x4x128xf32, #tpu.memory_space<hbm>>
    %dma_wait3A_132 = arith.constant 0 : i32
    %dma_wait3A_133 = arith.constant 0 : i32
    %dma_wait3A_134 = arith.constant 0 : i32
    %dma_wait3A_135 = tpu.memref_slice %arg4[%dma_wait3A_132, %dma_wait3A_133, %dma_wait3A_134] : memref<8192x4x128xf32, #tpu.memory_space<hbm>> -> memref<16x4x128xf32, #tpu.memory_space<hbm>>
    tpu.wait_dma2 semaphore(%arg13 : memref<!tpu.dma_semaphore, #tpu.memory_space<semaphore_mem>>) src(%arg8 : memref<16x4x128xf32, #tpu.memory_space<vmem>>) dst(%dma_wait3A_135 : memref<16x4x128xf32, #tpu.memory_space<hbm>>)
    return
  }
}

</mosaic_0001>

<sc_bundles>
// kernel: kernel.3.cloned.1.call-start
scs
__scs_entry_jumppad:
0x0: {  	(pc) =	sbr.rel $0x88, $3  }
0x1: {  	(tag) =	ssettag $0x0;
	lr =	simm.s32 $0x1  }
0x2: {  	[smem:$0x3F9F] =	sst lr;
	_ =	strace $0xD0000000  }
0x3: {  	_ = 	snop  }
0x4: {  	_ = 	snop  }
0x5: {  	_ = 	snop  }
0x6: {  	_ = 	snop  }
0x7: {  	_ = 	snop  }
__scs_overlays_trampoline_lowered:
0x8: {  	[smem:$0x3FAE] =	sst s0  }
0x9: {  	[smem:$0x3FAF] =	sst s1  }
0xa: {  	[smem:$0x3FB0] =	sst s2  }
0xb: {  	[smem:$0x3FB1] =	sst s3  }
0xc: {  	[smem:$0x3FB2] =	sst s4  }
0xd: {  	[smem:$0x3FB3] =	sst s5  }
0xe: {  	[smem:$0x3FB4] =	sst s6  }
0xf: {  	[smem:$0x3FB5] =	sst s7  }
0x10: {  	[smem:$0x3FB6] =	sst s8  }
0x11: {  	[smem:$0x3FB7] =	sst s9;
	s0 =	simm.s32 @!p0 $0x0  }
0x12: {  	s1 =	sld [smem:$0x3F9D];
	s0 =	simm.s32 @p0 $0x1  }
0x13: {  	[smem:$0x3FB8] =	sst s0;
	s0 =	simm.s32 @!p1 $0x0  }
0x14: {  	s2 =	sld [smem:$0x3F9C];
	s0 =	simm.s32 @p1 $0x1  }
0x15: {  	[smem:$0x3FB9] =	sst s0;
	s0 =	simm.s32 @!p2 $0x0  }
0x16: {  	s3 =	sld [smem:$0x3FDB];
	s0 =	simm.s32 @p2 $0x1  }
0x17: {  	s4 =	simm.s32 $0x1BF5;
	[smem:$0x3FBB] =	sst s0  }
0x18: {  	s0 =	sld [smem:$0x3F9E];
	_ =	swait.ge [sflag:s4], $0x0  }
0x19: {  	s7 =	sld [smem:$0x3F9F]  }
0x1a: {  	s8 =	sadd.s32 $0xFFFFE003, lr  }
0x1b: {  	s9 =	sadd.s32 $0xFFFFFEF7, lr;
	s5 =	simm.s32 $0xFFFFFFFF;
	p2 =	slt.u32 s8, $0xFFFFF086  }
0x1c: {  	p1 =	slt.u32 s9, $0xF7A;
	s5 =	simm.s32 @!p2 $0x0  }
0x1d: {  	s5 =	simm.s32 @p1 $0x1;
	p0 =	seq.s32 s7, s2  }
0x1e: {  	s7 =	smul.u32 @!p0 $0xF7A, s2;
	p2 =	seq.s32 @!p0 s5, $0x0  }
0x1f: {  	s9 =	smul.u32 $0xF7A, s1;
	s8 =	simm.s32 @!p0 $0x1BF5;
	p2 =	por !p2, p0  }
0x20: {  	[sflag:s8] =	ssyncset.s32 @!p0 $0xFFFFF086;
	s6 =	sadd.s32 @!p0 s3, s7;
	s7 =	simm.s32 @!p0 $0x108  }
0x21: {  	s3 =	sadd.s32 s3, s9;
	s6 =	sadd.s32 @!p0 $0x88, s6;
	s7 =	simm.s32 @p2 $0x1082  }
0x22: {  	[simem:s7], [sflag:s8] =	dma.local @!p0 [hbm:s6], $0xF7A  }
0x23: {  	s9 =	sor.u32 $0xD0000000, s2;
	s6 =	simm.s32 $0x108;
	_ =	swait.ge @!p0 [sflag:s8], $0x0  }
0x24: {  	s3 =	sadd.s32 $0x88, s3;
	s6 =	simm.s32 @!p1 $0x1082;
	[sflag:s4] =	ssyncset.s32 $0xFFFFF086  }
0x25: {  	[simem:s6], [sflag:s4] =	dma.local [hbm:s3], $0xF7A  }
0x26: {  	[smem:$0x3F9F] =	sst s1;
	(tag) =	ssettag s2;
	_ =	strace s9  }
0x27: {  	s1 =	sld [smem:$0x3FAF]  }
0x28: {  	s2 =	sld [smem:$0x3FB0]  }
0x29: {  	s4 =	sld [smem:$0x3FB2]  }
0x2a: {  	p0 =	seq.s32 s5, $0x0;
	s5 =	sld [smem:$0x3FB3]  }
0x2b: {  	s6 =	sld [smem:$0x3FB4]  }
0x2c: {  	s7 =	sld [smem:$0x3FB5]  }
0x2d: {  	s3 =	simm.s32 $0x108;
	s8 =	sld [smem:$0x3FB6]  }
0x2e: {  	s3 =	simm.s32 @!p0 $0x1082;
	s9 =	sld [smem:$0x3FB7]  }
0x2f: {  	lr =	sadd.s32 s0, s3;
	s0 =	sld [smem:$0x3FAE]  }
0x30: {  	s3 =	sld [smem:$0x3FB1]  }
0x31: {  	[smem:$0x3FBA] =	sst s10  }
0x32: {  	s10 =	sld [smem:$0x3FB8];
	_ =	sdelay $0x3  }
0x33: {  	p0 =	seq.s32 s10, $0x1;
	s10 =	sld [smem:$0x3FBA];
	_ =	sdelay $0x3  }
0x34: {  	[smem:$0x3FBA] =	sst s10  }
0x35: {  	s10 =	sld [smem:$0x3FB9];
	_ =	sdelay $0x3  }
0x36: {  	p1 =	seq.s32 s10, $0x1;
	s10 =	sld [smem:$0x3FBA];
	_ =	sdelay $0x3  }
0x37: {  	[smem:$0x3FBA] =	sst s10  }
0x38: {  	s10 =	sld [smem:$0x3FBB]  }
0x39: {  	_ = 	snop;
	(pc) =	sbr.ind lr, $3  }
0x3a: {  	_ = 	snop  }
0x3b: {  	_ = 	snop  }
0x3c: {  	p2 =	seq.s32 s10, $0x1;
	s10 =	sld [smem:$0x3FBA]  }
0x3d: {  	_ =	shalt  }
0x3e: {  	_ =	shalt  }
0x3f: {  	_ =	shalt  }
0x40: {  	_ =	shalt  }
0x41: {  	_ =	shalt  }
0x42: {  	_ =	shalt  }
0x43: {  	_ =	shalt  }
0x44: {  	_ =	shalt  }
0x45: {  	_ =	shalt  }
0x46: {  	_ =	shalt  }
0x47: {  	_ =	shalt  }
0x48: {  	_ =	shalt  }
0x49: {  	_ =	shalt  }
0x4a: {  	_ =	shalt  }
0x4b: {  	_ =	shalt  }
0x4c: {  	_ =	shalt  }
0x4d: {  	_ =	shalt  }
0x4e: {  	_ =	shalt  }
0x4f: {  	_ =	shalt  }
0x50: {  	_ =	shalt  }
0x51: {  	_ =	shalt  }
0x52: {  	_ =	shalt  }
0x53: {  	_ =	shalt  }
0x54: {  	_ =	shalt  }
0x55: {  	_ =	shalt  }
0x56: {  	_ =	shalt  }
0x57: {  	_ =	shalt  }
0x58: {  	_ =	shalt  }
0x59: {  	_ =	shalt  }
0x5a: {  	_ =	shalt  }
0x5b: {  	_ =	shalt  }
0x5c: {  	_ =	shalt  }
0x5d: {  	_ =	shalt  }
0x5e: {  	_ =	shalt  }
0x5f: {  	_ =	shalt  }
0x60: {  	_ =	shalt  }
0x61: {  	_ =	shalt  }
0x62: {  	_ =	shalt  }
0x63: {  	_ =	shalt  }
0x64: {  	_ =	shalt  }
0x65: {  	_ =	shalt  }
0x66: {  	_ =	shalt  }
0x67: {  	_ =	shalt  }
0x68: {  	_ =	shalt  }
0x69: {  	_ =	shalt  }
0x6a: {  	_ =	shalt  }
0x6b: {  	_ =	shalt  }
0x6c: {  	_ =	shalt  }
0x6d: {  	_ =	shalt  }
0x6e: {  	_ =	shalt  }
0x6f: {  	_ =	shalt  }
0x70: {  	_ =	shalt  }
0x71: {  	_ =	shalt  }
0x72: {  	_ =	shalt  }
0x73: {  	_ =	shalt  }
0x74: {  	_ =	shalt  }
0x75: {  	_ =	shalt  }
0x76: {  	_ =	shalt  }
0x77: {  	_ =	shalt  }
0x78: {  	_ =	shalt  }
0x79: {  	_ =	shalt  }
0x7a: {  	_ =	shalt  }
0x7b: {  	_ =	shalt  }
0x7c: {  	_ =	shalt  }
0x7d: {  	_ =	shalt  }
0x7e: {  	_ =	shalt  }
0x7f: {  	_ =	shalt  }
0x80: {  	_ =	shalt  }
0x81: {  	_ =	shalt  }
0x82: {  	_ =	shalt  }
0x83: {  	_ =	shalt  }
0x84: {  	_ =	shalt  }
0x85: {  	_ =	shalt  }
0x86: {  	_ =	shalt  }
0x87: {  	_ =	shalt  }
.Lfunc_end0:
.L_simem_size_0:
called_computation_lowered:
.L_overlay_start_0:
0x88: {  	s2 =	sld [smem:$0x3FD9]  }
0x89: {  	s3 =	sld [smem:$0x3FFE];
	_ =	sdelay $0x1  }
0x8a: {  	s1 =	srdreg.scid  }
0x8b: {  	s0 =	sand.u32 $0x1, s1  }
0x8c: {  	s17 =	sshll.u32 s0, $0xA;
	s2 =	sadd.s32 s3, s2  }
0x8d: {  	s2 =	sadd.s32 s2, s17  }
0x8e: {  	[smem:$0x3FC6] =	sst s2  }
0x8f: {  	_ = 	snop  }
0x90: {  	s2 =	sld [smem:$0x3FC9]  }
0x91: {  	s18 =	sld [smem:$0x3FD0];
	(tm) =	ssettm $0x1  }
0x92: {  	s4 =	sld [smem:$0x3FFB];
	_ =	sdelay $0x3  }
0x93: {  	_ =	strace s4  }
0x94: {  	s4 =	sld [smem:$0x3FFC];
	_ =	sdelay $0x3  }
0x95: {  	_ =	strace s4  }
0x96: {  	s4 =	sld [smem:$0x3FFD];
	_ =	sdelay $0x3  }
0x97: {  	_ =	strace s4  }
0x98: {  	_ =	strace $0x8FFFFFFF  }
0x99: {  	s19 =	sld [smem:$0x3FDB];
	_ =	sdelay $0x1  }
0x9a: {  	s5 =	simm.s32 $_scs_section_size  }
0x9b: {  	s6 =	simm.s32 $_size__tile_overlayer_lowered;
	s7 =	simm.s32 $_tile_overlayer_lowered  }
0x9c: {  	s22 =	simm.s32 $0x1BFF;
	s21 =	sshll.u32 s7, $0x1;
	s4 =	sadd.s32 s5, s19  }
0x9d: {  	s8 =	simm.s32 $0x0;
	s20 =	sshll.u32 s6, $0x1;
	s6 =	sadd.s32 s21, s4  }
0x9e: {  	[timem:s8], [sflag:s22] =	dma.local [hbm:s6], s20  }
0x9f: {  	_ =	swait.ge [sflag:s22], s20  }
0xa0: {  	s5 =	ssub.s32 $0x0, s20;
	[sflag:s22] =	ssyncset.done $0x0  }
0xa1: {  	[sflag:s22] =	ssyncadd.s32 s5;
	_ =	sdelay $0x1  }
0xa2: {  	s23 =	simm.s32 $0x1B8B  }
0xa3: {  	_ =	swait.ge [sflag:s23], $0x1  }
0xa4: {  	[sflag:s23] =	ssyncset.done $0x0  }
0xa5: {  	s25 =	simm.s32 $0x1B8E;
	s24 =	sld [smem:$0x3FFE];
	[sflag:s23] =	ssyncadd.s32 $0xFFFFFFFF  }
0xa6: {  	s26 =	simm.s32 $execute0_lowered;
	[smem:$0x3FD2] =	sst s25  }
0xa7: {  	s6 =	sshll.u32 s26, $0x1;
	_ =	strace $0x80000046;
	[dreg:$0x1] =	wrdreg $0xFFFFFFFF  }
0xa8: {  	s28 =	simm.s32 $_size_execute0_lowered;
	s4 =	sadd.s32 s4, s6;
	[dreg:$0x0] =	wrdreg $0x0  }
0xa9: {  	s6 =	sshll.u32 s28, $0x1;
	[dreg:$0x2] =	wrdreg s4  }
0xaa: {  	[dreg:$0x3] =	wrdreg s6  }
0xab: {  	[dreg:$0x4] =	wrdreg $0xC0  }
0xac: {  	_ =	task [dreg:s8], $0x5FFFF  }
0xad: {  	[dreg:$0x1] =	wrdreg $0xFFFFFFFF  }
0xae: {  	[dreg:$0x0] =	wrdreg $0x60  }
0xaf: {  	[dreg:$0x2] =	wrdreg s2  }
0xb0: {  	[dreg:$0x3] =	wrdreg s24  }
0xb1: {  	[dreg:$0x4] =	wrdreg s18  }
0xb2: {  	[dreg:$0x5] =	wrdreg $0x9  }
0xb3: {  	_ =	task.clear_ibuf [dreg:s8], $0x6FFFF;
	_ =	strace $0x90000046  }
0xb4: {  	s29 =	simm.s32 $0x9;
	_ =	strace $0x80000048  }
0xb5: {  	_ =	swait.ge [sflag:s29], $0x1  }
0xb6: {  	[sflag:s29] =	ssyncadd.s32 $0xFFFFFFFF  }
0xb7: {  	_ =	strace $0x90000048  }
0xb8: {  	_ =	sfence  }
0xb9: {  	s30 =	sld [smem:$0x0];
	_ =	sdelay $0x2  }
0xba: {  	s31 =	sshll.u32 s1, $0xD;
	s1 =	sshrl.u32 s1, $0x2  }
0xbb: {  	s3 =	sand.u32 $0x4000, s31;
	s1 =	sadd.s32 s1, s30  }
0xbc: {  	s0 =	sor.u32 s3, s0;
	s1 =	sshll.u32 s1, $0x11  }
0xbd: {  	s0 =	sor.u32 s1, s0  }
0xbe: {  	s0 =	sadd.s32 $0x8F2B, s0  }
0xbf: {  	[sflag:s0] =	ssyncadd.remote.s32 $0x1  }
0xc0: {  	_ =	sfence.sel $0xFFFF  }
0xc1: {  	[dreg:$0x0] =	wrdreg $0xFFFFFFFF;
	(pc) =	sbr.abs _section_cstart, $3  }
0xc2: {  	[dreg:$0x1] =	wrdreg $0xFFFFFFFF  }
0xc3: {  	_ =	task.clear_ibuf [dreg:s8], $0x2FFFF;
	_ =	strace $0x9FFFFFFF  }
0xc4: {  	(tm) =	ssettm $0x7FFFFFFF  }
0xc5: {  	_ =	shalt  }
tec
execute0_lowered:
.L_overlay_start_1:
0x0: {  	(tag) =	ssettag $0x1  }
0x1: {  	s3 =	rddreg [dreg:$0x0]  }
0x2: {  	s0 =	rddreg [dreg:$0x1];
	s2 =	srdreg.scid  }
0x3: {  	s1 =	rddreg [dreg:$0x2];
	s4 =	stileid.u32;
	s2 =	sand.u32 $0x1, s2  }
0x4: {  	s19 =	simm.s32 $0x0;
	s4 =	sshll.u32 s4, $0x9;
	s5 =	sshll.u32 s2, $0x8  }
0x5: {  	[smem:$0x7FF] =	sst s19;
	s0 =	sadd.s32 $0x400, s0;
	s4 =	sor.u32 s5, s4  }
0x6: {  	_ =	strace $0x80000047;
	s2 =	ssub.s32 $0x2, s2;
	s5 =	sshll.u32 s4, $0x7  }
0x7: {  	[dreg:$0x4] =	wrdreg s0;
	s28 =	sshll.u32 s4, $0xA;
	s3 =	sadd.s32 s3, s5  }
0x8: {  	s26 =	sshrl.u32 s2, $0x1;
	s30 =	sor.u32 $0x8000, s28;
	[dreg:$0x5] =	wrdreg s3  }
0x9: {  	s0 =	ssub.s32 s2, s26;
	s2 =	sor.u32 $0xC000, s28;
	[dreg:$0xa] =	wrdreg s30  }
0xa: {  	s4 =	sshll.u32 s4, $0x6;
	s0 =	smax.u32 s0, $0x1;
	[dreg:$0xb] =	wrdreg s2  }
0xb: {  	s1 =	sadd.s32 s1, s4;
	[dreg:$0xc] =	wrdreg s0  }
.Ltmp0:
0xc: {  	s5 =	sadd.s32 $0x100000, s3;
	[dreg:$0x9] =	wrdreg s1;
	(pc) =	sbr.rel .LBB2_1-.Ltmp0, $4  }
0xd: {  	s29 =	sadd.s32 $0x800, s3;
	[dreg:$0x6] =	wrdreg s5  }
0xe: {  	v0 =	vimm.s32 $0x0;
	v1 =	vimm.s32 $0x2;
	s3 =	sadd.s32 $0x100800, s3;
	[dreg:$0x7] =	wrdreg s29  }
0xf: {  	s14 =	simm.s32 $0x14000;
	v2 =	vimm.s32 $0x4;
	v3 =	vimm.s32 $0x6;
	v4 =	vimm.s32 $0x8;
	s31 =	sadd.s32 $0x400, s1;
	[dreg:$0x8] =	wrdreg s3  }
0x10: {  	s21 =	simm.s32 $0x2;
	v5 =	vimm.s32 $0xA;
	v6 =	vimm.s32 $0xC;
	v7 =	vimm.s32 $0xE;
	s2 =	simm.s32 $0x0;
	[dreg:$0xd] =	wrdreg s31  }
.LBB2_8:
0x11: {  	s0 =	simm.s32 $0x3  }
0x12: {  	_ =	swait.ge [sflag:s0], $0x2000  }
0x13: {  	[sflag:s0] =	ssyncset.done $0x0  }
0x14: {  	s1 =	simm.s32 $0x4;
	[sflag:s0] =	ssyncadd.s32 $0xFFFFE000  }
0x15: {  	_ =	swait.ge [sflag:s1], $0x2000  }
0x16: {  	s2 =	rddreg [dreg:$0xe]  }
0x17: {  	s31 =	rddreg [dreg:$0xc];
	s2 =	sadd.s32 $0x1, s2  }
0x18: {  	p0 =	sne.s32 s2, s31  }
.Ltmp1:
0x19: {  	_ = 	snop;
	(pc) =	sbr.rel @!p0 .LBB2_9-.Ltmp1, $3  }
0x1a: {  	_ =	sdelay $0x1  }
0x1b: {  	[sflag:s1] =	ssyncset.done $0x0  }
0x1c: {  	[sflag:s1] =	ssyncadd.s32 $0xFFFFE000  }
.LBB2_1:
0x1d: {  	[dreg:$0xe] =	wrdreg s2  }
0x1e: {  	s0 =	rddreg [dreg:$0x4];
	s24 =	simm.s32 $0x5  }
0x1f: {  	[tilespmem:s14], [sflag:$0x5] =	stream.linear.gather [hbm4b:s0+s19], $0x80, $0x38;
	[tilespmem:$0x14080] =	vst v63  }
0x20: {  	_ =	swait.ge [sflag:s24], $0x80  }
0x21: {  	[sflag:s24] =	ssyncset.done $0x0  }
0x22: {  	s25 =	rddreg [dreg:$0x5];
	[sflag:s24] =	ssyncadd.s32 $0xFFFFFF80  }
0x23: {  	[tilespmem:s19], [sflag:$0x1] =	stream.linear.gather [hbm4b:s25+s19], $0x4000, $0x38;
	[tilespmem:$0x14080] =	vst v63  }
0x24: {  	s1 =	simm.s32 $0x4000;
	s26 =	rddreg [dreg:$0x6]  }
0x25: {  	[tilespmem:s1], [sflag:$0x1] =	stream.linear.gather [hbm4b:s26+s19], $0x4000, $0x38;
	[tilespmem:$0x14080] =	vst v63  }
0x26: {  	s29 =	simm.s32 $0x8000;
	s28 =	rddreg [dreg:$0x7]  }
0x27: {  	[tilespmem:s29], [sflag:$0x2] =	stream.linear.gather [hbm4b:s28+s19], $0x4000, $0x38;
	[tilespmem:$0x14080] =	vst v63  }
0x28: {  	s31 =	simm.s32 $0xC000;
	s30 =	rddreg [dreg:$0x8];
	s26 =	simm.s32 $0x0  }
0x29: {  	[tilespmem:s31], [sflag:$0x2] =	stream.linear.gather [hbm4b:s30+s19], $0x4000, $0x38;
	[tilespmem:$0x14080] =	vst v63  }
.LBB2_2:
0x2a: {  	s0 =	simm.s32 $0x1  }
0x2b: {  	_ =	swait.ge [sflag:s0], $0x4000  }
0x2c: {  	[sflag:s0] =	ssyncset.done $0x0  }
0x2d: {  	[sflag:s0] =	ssyncadd.s32 $0xFFFFC000  }
0x2e: {  	_ =	swait.ge [sflag:s0], $0x4000  }
0x2f: {  	p0 =	seq.s32 s26, $0x0;
	[sflag:s0] =	ssyncset.done $0x0  }
0x30: {  	s18 =	simm.s32 $0x0;
	s2 =	simm.s32 @!p0 $0x3;
	[sflag:s0] =	ssyncadd.s32 $0xFFFFC000  }
0x31: {  	s20 =	simm.s32 $0x0;
	s6 =	sand.u32 $0x60, s18;
	_ =	swait.ge @!p0 [sflag:s2], $0x2000  }
0x32: {  	s1 =	sor.u32 $0x10, s6;
	s0 =	sand.u32 $0x3FFFFC00, s20;
	[sflag:s2] =	ssyncset.done @!p0 $0x0  }
0x33: {  	s22 =	sor.u32 s1, s0;
	[sflag:s2] =	ssyncadd.s32 @!p0 $0xFFFFE000  }
0x34: {  	v8 =	vld [tilespmem:s22+$0x0]  }
0x35: {  	v9 =	vld [tilespmem:s22+$0x80]  }
0x36: {  	v10 =	vld [tilespmem:s22+$0x100]  }
0x37: {  	v11 =	vld [tilespmem:s22+$0x180]  }
0x38: {  	v12 =	vld [tilespmem:s22+$0x200]  }
0x39: {  	v13 =	vld [tilespmem:s22+$0x280]  }
0x3a: {  	s4 =	sadd.s32 $0x4000, s0;
	v14 =	vld [tilespmem:s22+$0x300]  }
0x3b: {  	s5 =	sadd.s32 $0x4080, s0;
	s23 =	sor.u32 s1, s4;
	v15 =	vld [tilespmem:s22+$0x380]  }
0x3c: {  	s7 =	sadd.s32 $0x4100, s0;
	s24 =	sor.u32 s1, s5;
	v16 =	vld [tilespmem:s23+$0x0]  }
0x3d: {  	s8 =	sadd.s32 $0x4180, s0;
	s25 =	sor.u32 s1, s7;
	v17 =	vld [tilespmem:s24+$0x0]  }
0x3e: {  	s30 =	sadd.s32 $0x4200, s0;
	s9 =	sor.u32 s1, s8;
	v18 =	vld [tilespmem:s25+$0x0]  }
0x3f: {  	s10 =	sadd.s32 $0x4280, s0;
	s31 =	sor.u32 s1, s30;
	v19 =	vld [tilespmem:s9+$0x0]  }
0x40: {  	s11 =	sadd.s32 $0x4300, s0;
	s3 =	sor.u32 s1, s10;
	v20 =	vld [tilespmem:s31+$0x0]  }
0x41: {  	s12 =	sadd.s32 $0x4380, s0;
	s13 =	sor.u32 s1, s11;
	v21 =	vld [tilespmem:s3+$0x0]  }
0x42: {  	s15 =	sor.u32 s1, s12;
	v22 =	vld [tilespmem:s13+$0x0]  }
0x43: {  	v23 =	vld [tilespmem:s15+$0x0];
	s23 =	sor.u32 s6, s0  }
0x44: {  	v30 =	vld [tilespmem:s23+$0x80]  }
0x45: {  	v29 =	vld [tilespmem:s23+$0x100]  }
0x46: {  	v31 =	vld [tilespmem:s23+$0x180];
	vm0 =	vgt.f32 v9, v8;
	vm1 =	vgt.f32 v11, v10  }
0x47: {  	v39 =	vld [tilespmem:s23+$0x200];
	vm2 =	vgt.f32 v13, v12;
	vm3 =	vgt.f32 v15, v14;
	v24 =	vsel vm0, $0x1, v0  }
0x48: {  	v43 =	vld [tilespmem:s23+$0x280];
	v25 =	vsel vm1, $0x3, v1;
	v26 =	vsel vm2, $0x5, v2;
	v8 =	vsel vm0, v9, v8  }
0x49: {  	v44 =	vld [tilespmem:s23+$0x300];
	v11 =	vsel vm1, v11, v10;
	v10 =	vsel vm3, $0x7, v3;
	v12 =	vsel vm2, v13, v12  }
0x4a: {  	s4 =	sor.u32 s6, s4;
	v45 =	vld [tilespmem:s23+$0x380];
	v13 =	vsel vm3, v15, v14;
	vm0 =	vgt.f32 v17, v16;
	vm1 =	vgt.f32 v19, v18  }
0x4b: {  	s16 =	sor.u32 s6, s7;
	vm2 =	vgt.f32 v21, v20;
	vm3 =	vgt.f32 v23, v22;
	v9 =	vld [tilespmem:s4+$0x0];
	v14 =	vsel vm0, $0x9, v4  }
0x4c: {  	s17 =	sor.u32 s6, s8;
	v16 =	vsel vm0, v17, v16;
	v17 =	vsel vm1, v19, v18;
	v18 =	vsel vm2, v21, v20;
	v20 =	vld [tilespmem:s16+$0x0]  }
0x4d: {  	s2 =	sor.u32 s6, s30;
	v15 =	vsel vm1, $0xB, v5;
	v27 =	vsel vm2, $0xD, v6;
	v19 =	vsel vm3, v23, v22;
	v22 =	vld [tilespmem:s17+$0x0]  }
0x4e: {  	s5 =	sor.u32 s6, s5;
	v28 =	vsel vm3, $0xF, v7;
	vm4 =	vgt.f32 v11, v8;
	vm5 =	vgt.f32 v13, v12;
	v23 =	vld [tilespmem:s2+$0x0]  }
0x4f: {  	s18 =	sor.u32 s6, s10;
	s7 =	simm.s32 $0x20;
	v21 =	vsel vm4, v25, v24;
	v25 =	vsel vm5, v10, v26;
	v10 =	vld [tilespmem:s5+$0x0];
	v8 =	vsel vm4, v11, v8  }
0x50: {  	s8 =	simm.s32 $0x100;
	s22 =	sor.u32 s6, s12;
	s0 =	sand.u32 $0x60, s7;
	vm0 =	vgt.f32 v17, v16;
	vm1 =	vgt.f32 v19, v18;
	v11 =	vsel vm5, v13, v12;
	v24 =	vld [tilespmem:s18+$0x0]  }
0x51: {  	s4 =	sor.u32 $0x10, s0;
	s2 =	sand.u32 $0x3FFFFC00, s8;
	v26 =	vld [tilespmem:s22+$0x0];
	v12 =	vsel vm0, v17, v16;
	v13 =	vsel vm1, v19, v18;
	v14 =	vsel vm0, v15, v14  }
0x52: {  	s9 =	sor.u32 s4, s2;
	vm0 =	vgt.f32 v11, v8;
	v15 =	vsel vm1, v28, v27;
	v28 =	vld [tilespmem:s23+$0x0];
	vm2 =	vgt.f32 v13, v12  }
0x53: {  	v16 =	vld [tilespmem:s9+$0x180];
	v8 =	vsel vm0, v11, v8;
	v11 =	vsel vm2, v13, v12  }
0x54: {  	v17 =	vld [tilespmem:s9+$0x200];
	v12 =	vsel vm0, v25, v21;
	v13 =	vsel vm2, v15, v14;
	vm0 =	vgt.f32 v11, v8  }
0x55: {  	s12 =	sadd.s32 $0x4080, s2;
	v18 =	vld [tilespmem:s9+$0x300];
	v8 =	vsel vm0, v13, v12  }
0x56: {  	s25 =	sadd.s32 $0x4100, s2;
	v19 =	vld [tilespmem:s9+$0x380];
	s30 =	sor.u32 s4, s12;
	v8 =	vshll.u32 v8, $0x3  }
0x57: {  	s3 =	sadd.s32 $0x4180, s2;
	s31 =	sor.u32 s4, s25;
	v33 =	vld [tilespmem:s30+$0x0]  }
0x58: {  	s13 =	sadd.s32 $0x4200, s2;
	s8 =	sor.u32 s4, s3;
	v34 =	vld [tilespmem:s31+$0x0]  }
0x59: {  	s16 =	sor.u32 s4, s13;
	v35 =	vld [tilespmem:s8+$0x0]  }
0x5a: {  	v36 =	vld [tilespmem:s16+$0x0]  }
0x5b: {  	v11 =	vld.idx.msk [tilespmem:v8+s14+$0x0], $0xffff  }
0x5c: {  	s10 =	simm.s32 $0x0;
	v14 =	vld [tilespmem:s9+$0x80];
	v13 =	vor.u32 $0x1, v8  }
0x5d: {  	s7 =	sand.u32 $0x3FFFFE00, s10;
	v15 =	vld [tilespmem:s9+$0x100]  }
0x5e: {  	s20 =	sor.u32 s6, s11;
	s7 =	sadd.s32 $0x10000, s7;
	s11 =	sadd.s32 $0x4000, s2;
	v12 =	vld [tilespmem:s9+$0x0]  }
0x5f: {  	s28 =	sor.u32 s1, s7;
	s24 =	sor.u32 s4, s11;
	v25 =	vld [tilespmem:s20+$0x0]  }
0x60: {  	v21 =	vld [tilespmem:s24+$0x0];
	[tilespmem:s28+$0x0] =	vst v11  }
0x61: {  	s15 =	sadd.s32 $0x4280, s2;
	v11 =	vld.idx.msk [tilespmem:v13+s14+$0x0], $0xffff  }
0x62: {  	s16 =	sor.u32 s4, s15;
	vm3 =	vgt.f32 v19, v18;
	v27 =	vor.u32 $0x2, v8;
	vm1 =	vgt.f32 v16, v15;
	v13 =	vld [tilespmem:s9+$0x280]  }
0x63: {  	s17 =	sadd.s32 $0x4300, s2;
	s30 =	sor.u32 s0, s3;
	v37 =	vld [tilespmem:s16+$0x0];
	v41 =	vsel vm1, $0x3, v1;
	vm0 =	vgt.f32 v14, v12;
	v8 =	vor.u32 $0x3, v8  }
0x64: {  	s18 =	sadd.s32 $0x4380, s2;
	s20 =	sor.u32 s4, s17;
	v53 =	vld [tilespmem:s30+$0x0];
	v40 =	vsel vm0, $0x1, v0;
	v12 =	vsel vm0, v14, v12;
	v14 =	vsel vm1, v16, v15  }
0x65: {  	s22 =	sor.u32 s4, s18;
	v38 =	vld [tilespmem:s20+$0x0];
	v15 =	vsel vm3, $0x7, v3;
	v16 =	vsel vm3, v19, v18;
	vm1 =	vgt.f32 v35, v34  }
0x66: {  	s25 =	sor.u32 s0, s25;
	vm0 =	vgt.f32 v33, v21;
	v18 =	vsel vm1, $0xB, v5;
	vm4 =	vgt.f32 v14, v12;
	[tilespmem:s28+$0x80] =	vst v11;
	v11 =	vld [tilespmem:s22+$0x0]  }
0x67: {  	v21 =	vsel vm0, v33, v21;
	v35 =	vsel vm1, v35, v34;
	v33 =	vld [tilespmem:s25+$0x0];
	vm2 =	vgt.f32 v13, v17  }
0x68: {  	s3 =	sor.u32 s0, s15;
	v14 =	vsel vm4, v14, v12;
	v32 =	vld.idx.msk [tilespmem:v27+s14+$0x0], $0xffff;
	v42 =	vsel vm2, $0x5, v2;
	v13 =	vsel vm2, v13, v17  }
0x69: {  	s23 =	sor.u32 s0, s11;
	v12 =	vld [tilespmem:s3+$0x0];
	v17 =	vsel vm0, $0x9, v4;
	vm0 =	vgt.f32 v35, v21;
	vm5 =	vgt.f32 v16, v13  }
0x6a: {  	s8 =	sor.u32 s0, s17;
	vm2 =	vgt.f32 v37, v36;
	v27 =	vld [tilespmem:s23+$0x0];
	v21 =	vsel vm0, v35, v21;
	v16 =	vsel vm5, v16, v13  }
0x6b: {  	s10 =	sor.u32 s0, s18;
	v17 =	vsel vm0, v18, v17;
	v13 =	vld [tilespmem:s8+$0x0];
	vm0 =	vgt.f32 v16, v14;
	vm3 =	vgt.f32 v11, v38  }
0x6c: {  	s24 =	sor.u32 s0, s12;
	v36 =	vsel vm2, v37, v36;
	v16 =	vsel vm0, v16, v14;
	v14 =	vld [tilespmem:s10+$0x0];
	v51 =	vsel vm3, v11, v38  }
0x6d: {  	s31 =	sor.u32 s0, s13;
	[tilespmem:s28+$0x100] =	vst v32;
	v32 =	vld [tilespmem:s24+$0x0];
	vm1 =	vgt.f32 v51, v36  }
0x6e: {  	v19 =	vsel vm2, $0xD, v6;
	v46 =	vsel vm3, $0xF, v7;
	v11 =	vld [tilespmem:s31+$0x0];
	s24 =	simm.s32 $0x40;
	v54 =	vsel vm1, v51, v36  }
0x6f: {  	s11 =	sor.u32 s0, s2;
	s25 =	simm.s32 $0x200;
	v8 =	vld.idx.msk [tilespmem:v8+s14+$0x0], $0xffff;
	s2 =	sand.u32 $0x60, s24;
	v18 =	vsel vm1, v46, v19;
	vm2 =	vgt.f32 v54, v21  }
0x70: {  	vm6 =	vgt.f32 v31, v29;
	s5 =	sand.u32 $0x3FFFFC00, s25;
	s15 =	sor.u32 $0x10, s2;
	v17 =	vsel vm2, v18, v17;
	v18 =	vld [tilespmem:s11+$0x80]  }
0x71: {  	v52 =	vsel vm4, v41, v40;
	vm3 =	vgt.f32 v22, v20;
	s30 =	sor.u32 s15, s5;
	v19 =	vsel vm2, v54, v21;
	v21 =	vld [tilespmem:s11+$0x280]  }
0x72: {  	vm4 =	vgt.f32 v24, v23;
	v20 =	vsel vm3, v22, v20;
	vm1 =	vgt.f32 v26, v25;
	v22 =	vld [tilespmem:s30+$0x0]  }
0x73: {  	vm7 =	vgt.f32 v30, v28;
	v23 =	vsel vm4, v24, v23;
	v24 =	vsel vm1, v26, v25;
	v26 =	vld [tilespmem:s30+$0x80]  }
0x74: {  	v25 =	vsel vm7, v30, v28;
	v28 =	vsel vm6, v31, v29;
	v29 =	vld [tilespmem:s30+$0x100]  }
0x75: {  	v31 =	vld [tilespmem:s30+$0x180]  }
0x76: {  	v38 =	vld [tilespmem:s30+$0x280]  }
0x77: {  	s3 =	sadd.s32 $0x4000, s5;
	v15 =	vsel vm5, v15, v42;
	v40 =	vld [tilespmem:s30+$0x300]  }
0x78: {  	v15 =	vsel vm0, v15, v52;
	s10 =	sadd.s32 $0x4100, s5;
	s17 =	sor.u32 s15, s3;
	v62 =	vld [tilespmem:s30+$0x380];
	vm0 =	vgt.f32 v19, v16  }
0x79: {  	s9 =	sadd.s32 $0x4080, s5;
	s20 =	sor.u32 s15, s10;
	v49 =	vld [tilespmem:s17+$0x0];
	v15 =	vsel vm0, v17, v15  }
0x7a: {  	s18 =	sor.u32 s15, s9;
	s9 =	sor.u32 s2, s9;
	v51 =	vld [tilespmem:s20+$0x0];
	v55 =	vshll.u32 v15, $0x3  }
0x7b: {  	vm10 =	vgt.f32 v43, v39;
	vm11 =	vgt.f32 v45, v44;
	vm2 =	vgt.f32 v10, v9;
	v34 =	vld [tilespmem:s9+$0x0]  }
0x7c: {  	v63 =	vsel vm10, $0x5, v2;
	v48 =	vsel vm11, $0x7, v3;
	v16 =	vld [tilespmem:s11+$0x0];
	v9 =	vsel vm2, v10, v9  }
0x7d: {  	v59 =	vsel vm7, $0x1, v0;
	vm5 =	vgt.f32 v24, v23;
	vm0 =	vgt.f32 v20, v9;
	v15 =	vld [tilespmem:s11+$0x200]  }
0x7e: {  	v58 =	vsel vm4, $0xD, v6;
	v9 =	vsel vm0, v20, v9;
	v20 =	vsel vm5, v24, v23;
	v23 =	vld [tilespmem:s30+$0x200]  }
0x7f: {  	s31 =	simm.s32 $0x80;
	v57 =	vsel vm3, $0xB, v5;
	v30 =	vsel vm10, v43, v39;
	v61 =	vsel vm1, $0xF, v7;
	v10 =	vld.idx.msk [tilespmem:v55+s14+$0x0], $0xffff  }
0x80: {  	s8 =	sand.u32 $0x3FFFFE00, s31;
	vm8 =	vgt.f32 v28, v25;
	s20 =	sadd.s32 $0x4380, s5;
	v19 =	vld [tilespmem:s11+$0x180];
	vm3 =	vgt.f32 v12, v11;
	v56 =	vor.u32 $0x1, v55  }
0x81: {  	s22 =	sadd.s32 $0x4200, s5;
	s8 =	sadd.s32 $0x10000, s8;
	s31 =	sor.u32 s15, s20;
	v17 =	vld [tilespmem:s11+$0x100];
	v11 =	vsel vm3, v12, v11;
	v24 =	vsel vm11, v45, v44;
	vm9 =	vgt.f32 v20, v9  }
0x82: {  	s16 =	sor.u32 s2, s22;
	s24 =	sor.u32 s15, s22;
	s22 =	sor.u32 s2, s5;
	v54 =	vld [tilespmem:s31+$0x0];
	v60 =	vor.u32 $0x2, v55;
	v9 =	vsel vm9, v20, v9;
	vm4 =	vgt.f32 v18, v16  }
0x83: {  	s4 =	sor.u32 s4, s8;
	v16 =	vsel vm4, v18, v16;
	v18 =	vld [tilespmem:s22+$0x180];
	vm7 =	vgt.f32 v38, v23;
	vm15 =	vgt.f32 v21, v15  }
0x84: {  	vm13 =	vgt.f32 v62, v40;
	v23 =	vsel vm7, v38, v23;
	v15 =	vsel vm15, v21, v15;
	v21 =	vld [tilespmem:s22+$0x280];
	[tilespmem:s4+$0x0] =	vst v10  }
0x85: {  	v10 =	vsel vm8, v28, v25;
	v28 =	vsel vm2, $0x9, v4;
	vm2 =	vgt.f32 v24, v30;
	v25 =	vld.idx.msk [tilespmem:v56+s14+$0x0], $0xffff  }
0x86: {  	v24 =	vsel vm2, v24, v30;
	v30 =	vsel vm6, $0x3, v1;
	v28 =	vsel vm0, v57, v28;
	v56 =	vld [tilespmem:s11+$0x380]  }
0x87: {  	v50 =	vsel vm2, v48, v63;
	vm2 =	vgt.f32 v53, v33;
	v48 =	vld [tilespmem:s16+$0x0];
	vm1 =	vgt.f32 v24, v10  }
0x88: {  	vm6 =	vgt.f32 v31, v29;
	v20 =	vsel vm8, v30, v59;
	v10 =	vsel vm1, v24, v10;
	v24 =	vld [tilespmem:s18+$0x0];
	s18 =	sadd.s32 $0x4300, s5  }
0x89: {  	v30 =	vsel vm5, v61, v58;
	v33 =	vsel vm2, v53, v33;
	v53 =	vor.u32 $0x3, v55;
	v55 =	vld [tilespmem:s11+$0x300];
	s30 =	sor.u32 s15, s18  }
0x8a: {  	s17 =	sadd.s32 $0x4280, s5;
	vm5 =	vgt.f32 v26, v22;
	v58 =	vsel vm6, $0x3, v1;
	v59 =	vsel vm7, $0x5, v2;
	v52 =	vld [tilespmem:s30+$0x0]  }
0x8b: {  	s25 =	sor.u32 s15, s17;
	v29 =	vsel vm6, v31, v29;
	v31 =	vsel vm13, $0x7, v3;
	[tilespmem:s4+$0x80] =	vst v25;
	v25 =	vsel vm9, v30, v28;
	v28 =	vld [tilespmem:s24+$0x0]  }
0x8c: {  	s13 =	sadd.s32 $0x4180, s5;
	vm0 =	vgt.f32 v9, v10;
	v9 =	vsel vm1, v50, v20;
	vm1 =	vgt.f32 v32, v27;
	v30 =	vld [tilespmem:s25+$0x0]  }
0x8d: {  	s23 =	sor.u32 s15, s13;
	v57 =	vsel vm5, $0x1, v0;
	v26 =	vsel vm5, v26, v22;
	v27 =	vsel vm1, v32, v27;
	v10 =	vld.idx.msk [tilespmem:v60+s14+$0x0], $0xffff  }
0x8e: {  	s3 =	sor.u32 s2, s3;
	v9 =	vsel vm0, v25, v9;
	v25 =	vld [tilespmem:s23+$0x0];
	vm0 =	vgt.f32 v14, v13;
	v60 =	vsel vm13, v62, v40  }
0x8f: {  	s11 =	sor.u32 s2, s10;
	v22 =	vld [tilespmem:s3+$0x0];
	s23 =	simm.s32 $0x60;
	vm13 =	vgt.f32 v56, v55;
	v9 =	vshll.u32 v9, $0x3;
	vm5 =	vgt.f32 v24, v49  }
0x90: {  	v37 =	vld [tilespmem:s11+$0x0];
	s24 =	simm.s32 $0x300;
	s5 =	sand.u32 $0x60, s23;
	v24 =	vsel vm5, v24, v49;
	v61 =	vsel vm5, $0x9, v4;
	vm5 =	vgt.f32 v29, v26  }
0x91: {  	s18 =	sor.u32 s2, s18;
	s16 =	sand.u32 $0x3FFFFC00, s24;
	v13 =	vsel vm0, v14, v13;
	v14 =	vld [tilespmem:s22+$0x300];
	s23 =	sor.u32 $0x10, s5;
	vm14 =	vgt.f32 v54, v52;
	v63 =	vsel vm5, v58, v57  }
0x92: {  	v26 =	vsel vm5, v29, v26;
	v29 =	vld [tilespmem:s18+$0x0];
	s25 =	sor.u32 s23, s16;
	vm7 =	vgt.f32 v30, v28;
	v32 =	vsel vm14, v54, v52  }
0x93: {  	v50 =	vsel vm14, $0xF, v7;
	v57 =	vld [tilespmem:s25+$0x0];
	vm6 =	vgt.f32 v25, v51;
	v28 =	vsel vm7, v30, v28  }
0x94: {  	s13 =	sor.u32 s2, s13;
	v47 =	vld [tilespmem:s25+$0x380];
	v25 =	vsel vm6, v25, v51;
	v62 =	vsel vm6, $0xB, v5;
	vm6 =	vgt.f32 v60, v23  }
0x95: {  	[tilespmem:s4+$0x100] =	vst v10;
	v30 =	vld [tilespmem:s13+$0x0];
	v49 =	vsel vm7, $0xD, v6;
	vm7 =	vgt.f32 v32, v28;
	v31 =	vsel vm6, v31, v59  }
0x96: {  	v20 =	vld.idx.msk [tilespmem:v9+s14+$0x0], $0xffff;
	vm5 =	vgt.f32 v25, v24;
	v23 =	vsel vm6, v60, v23;
	v54 =	vsel vm7, v50, v49  }
0x97: {  	s17 =	sor.u32 s2, s17;
	v10 =	vld.idx.msk [tilespmem:v53+s14+$0x0], $0xffff;
	v59 =	vsel vm0, $0xF, v7;
	v24 =	vsel vm5, v25, v24;
	v25 =	vsel vm7, v32, v28  }
0x98: {  	s29 =	sor.u32 s6, s7;
	s9 =	sadd.s32 $0x4080, s16;
	s10 =	sadd.s32 $0x4100, s16;
	v51 =	vld [tilespmem:s17+$0x0];
	v52 =	vsel vm5, v62, v61;
	vm5 =	vgt.f32 v23, v26;
	vm7 =	vgt.f32 v19, v17  }
0x99: {  	s7 =	sor.u32 s5, s9;
	s13 =	sor.u32 s23, s9;
	s9 =	sor.u32 s5, s10;
	v53 =	vld [tilespmem:s22+$0x0];
	v61 =	vsel vm15, $0x5, v2;
	v62 =	vsel vm13, $0x7, v3;
	vm15 =	vgt.f32 v34, v22  }
0x9a: {  	v36 =	vld [tilespmem:s9+$0x0];
	vm6 =	vgt.f32 v25, v24;
	v23 =	vsel vm5, v23, v26;
	v26 =	vsel vm5, v31, v63  }
0x9b: {  	v60 =	vld [tilespmem:s25+$0x80];
	v17 =	vsel vm7, v19, v17;
	v24 =	vsel vm6, v25, v24;
	v31 =	vsel vm6, v54, v52  }
0x9c: {  	s20 =	sor.u32 s2, s20;
	s31 =	simm.s32 $0x100;
	v49 =	vld [tilespmem:s13+$0x0];
	vm12 =	vgt.f32 v17, v16;
	vm6 =	vgt.f32 v13, v11;
	vm5 =	vgt.f32 v24, v23  }
0x9d: {  	s1 =	sand.u32 $0x3FFFFE00, s31;
	v28 =	vld [tilespmem:s20+$0x0];
	v11 =	vsel vm6, v13, v11;
	v13 =	vsel vm12, v17, v16;
	v16 =	vsel vm13, v56, v55  }
0x9e: {  	s12 =	sadd.s32 $0x10000, s1;
	s13 =	sadd.s32 $0x4180, s16;
	v19 =	vld [tilespmem:s22+$0x200];
	v56 =	vsel vm4, $0x1, v0;
	v12 =	vsel vm5, v31, v26;
	vm5 =	vgt.f32 v33, v27  }
0x9f: {  	s30 =	sor.u32 s15, s12;
	s15 =	sor.u32 s23, s10;
	s10 =	sor.u32 s5, s13;
	v63 =	vld [tilespmem:s25+$0x100];
	v26 =	vsel vm1, $0x9, v4;
	v31 =	vsel vm3, $0xD, v6;
	vm1 =	vgt.f32 v16, v15  }
0xa0: {  	s24 =	sadd.s32 $0x4300, s16;
	v39 =	vld [tilespmem:s10+$0x0];
	v12 =	vshll.u32 v12, $0x3;
	v24 =	vsel vm5, v33, v27;
	v27 =	vsel vm2, $0xB, v5  }
0xa1: {  	s31 =	sor.u32 s23, s24;
	v25 =	vld [tilespmem:s22+$0x80];
	v15 =	vsel vm1, v16, v15;
	v16 =	vsel vm7, $0x3, v1;
	vm2 =	vgt.f32 v30, v37  }
0xa2: {  	v52 =	vld [tilespmem:s31+$0x0];
	v33 =	vsel vm15, $0x9, v4;
	vm14 =	vgt.f32 v11, v24;
	v58 =	vor.u32 $0x1, v12  }
0xa3: {  	v23 =	vld [tilespmem:s22+$0x100];
	vm0 =	vgt.f32 v15, v13;
	v30 =	vsel vm2, v30, v37;
	vm8 =	vgt.f32 v21, v19  }
0xa4: {  	v17 =	vld [tilespmem:s22+$0x380];
	v50 =	vor.u32 $0x2, v12;
	v13 =	vsel vm0, v15, v13;
	v11 =	vsel vm14, v11, v24  }
0xa5: {  	s11 =	sadd.s32 $0x4200, s16;
	v15 =	vsel vm12, v16, v56;
	v16 =	vld [tilespmem:s25+$0x180];
	v24 =	vsel vm5, v27, v26;
	v26 =	vsel vm6, v59, v31  }
0xa6: {  	s17 =	sor.u32 s23, s13;
	s13 =	sor.u32 s5, s11;
	v27 =	vsel vm1, v62, v61;
	v31 =	vld [tilespmem:s25+$0x200];
	vm4 =	vgt.f32 v25, v53;
	v19 =	vsel vm8, v21, v19  }
0xa7: {  	s1 =	sadd.s32 $0x4000, s16;
	vm12 =	vgt.f32 v60, v57;
	v61 =	vld [tilespmem:s13+$0x0];
	v24 =	vsel vm14, v26, v24;
	vm1 =	vgt.f32 v11, v13  }
0xa8: {  	s3 =	sor.u32 s23, s1;
	v11 =	vsel vm0, v27, v15;
	v26 =	vor.u32 $0x1, v9;
	v27 =	vld [tilespmem:s25+$0x300];
	vm0 =	vgt.f32 v51, v48  }
0xa9: {  	v13 =	vsel vm15, v34, v22;
	v22 =	vld [tilespmem:s3+$0x0];
	vm5 =	vgt.f32 v18, v23;
	v25 =	vsel vm4, v25, v53  }
0xaa: {  	s18 =	sadd.s32 $0x4280, s16;
	v35 =	vsel vm12, v60, v57;
	v53 =	vsel vm12, $0x1, v0;
	v11 =	vsel vm1, v24, v11;
	v24 =	vld [tilespmem:s25+$0x280]  }
0xab: {  	s22 =	sor.u32 s23, s18;
	vm9 =	vgt.f32 v17, v14;
	v46 =	vsel vm4, $0x1, v0;
	v18 =	vsel vm5, v18, v23;
	v23 =	vld [tilespmem:s15+$0x0]  }
0xac: {  	vm1 =	vgt.f32 v28, v29;
	v48 =	vsel vm0, v51, v48;
	vm6 =	vgt.f32 v30, v13;
	v51 =	vld [tilespmem:s22+$0x0]  }
0xad: {  	v14 =	vsel vm9, v17, v14;
	v55 =	vld.idx.msk [tilespmem:v12+s14+$0x0], $0xffff;
	v11 =	vshll.u32 v11, $0x3;
	v28 =	vsel vm1, v28, v29  }
0xae: {  	s20 =	sor.u32 s23, s11;
	s25 =	sadd.s32 $0x4380, s16;
	vm3 =	vgt.f32 v18, v25;
	v29 =	vld [tilespmem:s17+$0x0];
	v21 =	vsel vm6, v30, v13;
	vm7 =	vgt.f32 v28, v48  }
0xaf: {  	v30 =	vld [tilespmem:s20+$0x0];
	s3 =	sor.u32 s23, s25;
	v18 =	vsel vm3, v18, v25;
	v28 =	vsel vm7, v28, v48;
	vm13 =	vgt.f32 v16, v63  }
0xb0: {  	[tilespmem:s29+$0x0] =	vst v20;
	v20 =	vld [tilespmem:s3+$0x0];
	v48 =	vsel vm5, $0x3, v1;
	vm15 =	vgt.f32 v47, v27;
	v54 =	vsel vm13, v16, v63  }
0xb1: {  	s20 =	sor.u32 s5, s24;
	s24 =	sor.u32 s5, s16;
	v16 =	vld.idx.msk [tilespmem:v26+s14+$0x0], $0xffff;
	vm12 =	vgt.f32 v49, v22;
	vm14 =	vgt.f32 v24, v31;
	v26 =	vsel vm15, $0x7, v3  }
0xb2: {  	v25 =	vld [tilespmem:s24+$0x0];
	v27 =	vsel vm15, v47, v27;
	v22 =	vsel vm12, v49, v22;
	v57 =	vsel vm12, $0x9, v4  }
0xb3: {  	s22 =	sor.u32 s5, s25;
	v17 =	vld [tilespmem:s24+$0x100];
	vm15 =	vgt.f32 v54, v35;
	v47 =	vsel vm1, $0xF, v7;
	[tilespmem:s30+$0x0] =	vst v55;
	v55 =	vsel vm13, $0x3, v1  }
0xb4: {  	v63 =	vld [tilespmem:s22+$0x0];
	v56 =	vsel vm14, $0x5, v2;
	v24 =	vsel vm14, v24, v31;
	vm13 =	vgt.f32 v29, v23  }
0xb5: {  	v49 =	vld [tilespmem:s24+$0x280];
	vm14 =	vgt.f32 v51, v30;
	v35 =	vsel vm15, v54, v35;
	v23 =	vsel vm13, v29, v23  }
0xb6: {  	v15 =	vld.idx.msk [tilespmem:v58+s14+$0x0], $0xffff;
	v58 =	vsel vm13, $0xB, v5;
	v30 =	vsel vm14, v51, v30;
	v59 =	vsel vm15, v55, v53  }
0xb7: {  	s1 =	sor.u32 s5, s1;
	v13 =	vld.idx.msk [tilespmem:v11+s14+$0x0], $0xffff;
	vm12 =	vgt.f32 v20, v52;
	v60 =	vsel vm14, $0xD, v6;
	vm13 =	vgt.f32 v27, v24  }
0xb8: {  	v31 =	vld [tilespmem:s1+$0x0];
	v55 =	vor.u32 $0x2, v9;
	v20 =	vsel vm12, v20, v52;
	v26 =	vsel vm13, v26, v56  }
0xb9: {  	s17 =	sor.u32 s5, s18;
	v29 =	vld [tilespmem:s7+$0x0];
	vm14 =	vgt.f32 v23, v22;
	v24 =	vsel vm13, v27, v24;
	vm15 =	vgt.f32 v20, v30  }
0xba: {  	v27 =	vld [tilespmem:s17+$0x0];
	v62 =	vsel vm12, $0xF, v7;
	v22 =	vsel vm14, v23, v22;
	v20 =	vsel vm15, v20, v30  }
0xbb: {  	v23 =	vld [tilespmem:s20+$0x0];
	vm12 =	vgt.f32 v24, v35;
	v30 =	vsel vm14, v58, v57;
	vm13 =	vgt.f32 v20, v22  }
0xbc: {  	v45 =	vsel vm15, v62, v60;
	v24 =	vsel vm12, v24, v35;
	[tilespmem:s30+$0x80] =	vst v15;
	v20 =	vsel vm13, v20, v22;
	v22 =	vld [tilespmem:s24+$0x80]  }
0xbd: {  	v26 =	vsel vm12, v26, v59;
	v30 =	vsel vm13, v45, v30;
	v15 =	vld.idx.msk [tilespmem:v50+s14+$0x0], $0xffff;
	vm14 =	vgt.f32 v20, v24  }
0xbe: {  	v24 =	vsel vm2, $0xB, v5;
	vm2 =	vgt.f32 v14, v19;
	v20 =	vsel vm14, v30, v26;
	v26 =	vld [tilespmem:s24+$0x180]  }
0xbf: {  	s7 =	simm.s32 $0x80;
	vm15 =	vgt.f32 v28, v21;
	v30 =	vsel vm0, $0xD, v6;
	v14 =	vsel vm2, v14, v19;
	v19 =	vld [tilespmem:s24+$0x200]  }
0xc0: {  	s25 =	simm.s32 $0x400;
	s6 =	sand.u32 $0x60, s7;
	v21 =	vsel vm15, v28, v21;
	vm0 =	vgt.f32 v14, v18;
	v28 =	vsel vm7, v47, v30;
	v30 =	vld [tilespmem:s24+$0x380]  }
0xc1: {  	v51 =	vsel vm9, $0x7, v3;
	s16 =	sor.u32 $0x10, s6;
	[tilespmem:s29+$0x80] =	vst v16;
	v50 =	vsel vm8, $0x5, v2;
	v14 =	vsel vm0, v14, v18;
	v18 =	vld [tilespmem:s24+$0x300];
	s24 =	sand.u32 $0x3FFFFC00, s25  }
0xc2: {  	v52 =	vsel vm3, v48, v46;
	v34 =	vld.idx.msk [tilespmem:v55+s14+$0x0], $0xffff;
	v24 =	vsel vm6, v24, v33;
	v53 =	vsel vm2, v51, v50;
	s9 =	sor.u32 s16, s24  }
0xc3: {  	v24 =	vsel vm15, v28, v24;
	vm1 =	vgt.f32 v21, v14;
	v14 =	vsel vm0, v53, v52;
	v21 =	vld [tilespmem:s9+$0x0]  }
0xc4: {  	v12 =	vor.u32 $0x3, v12;
	v20 =	vshll.u32 v20, $0x3;
	v14 =	vsel vm1, v24, v14;
	v24 =	vld [tilespmem:s9+$0x80]  }
0xc5: {  	v9 =	vor.u32 $0x3, v9;
	v56 =	vor.u32 $0x1, v11;
	vm12 =	vgt.f32 v39, v36;
	v41 =	vld [tilespmem:s9+$0x100]  }
0xc6: {  	vm6 =	vgt.f32 v27, v61;
	vm2 =	vgt.f32 v63, v23;
	vm7 =	vgt.f32 v29, v31;
	v58 =	vld [tilespmem:s9+$0x180]  }
0xc7: {  	v27 =	vsel vm6, v27, v61;
	v23 =	vsel vm2, v63, v23;
	vm4 =	vgt.f32 v22, v25;
	v59 =	vld [tilespmem:s9+$0x200]  }
0xc8: {  	v60 =	vsel vm6, $0xD, v6;
	v62 =	vsel vm2, $0xF, v7;
	v22 =	vsel vm4, v22, v25;
	v25 =	vld [tilespmem:s9+$0x280]  }
0xc9: {  	v54 =	vor.u32 $0x1, v20;
	s3 =	sadd.s32 $0x4000, s24;
	vm1 =	vgt.f32 v23, v27;
	v61 =	vsel vm4, $0x1, v0;
	v28 =	vld.idx.msk [tilespmem:v20+s14+$0x0], $0xffff  }
0xca: {  	s31 =	simm.s32 $0x180;
	s13 =	sor.u32 s16, s3;
	v57 =	vshll.u32 v14, $0x3;
	v14 =	vsel vm7, v29, v31;
	vm3 =	vgt.f32 v26, v17;
	v31 =	vld [tilespmem:s9+$0x380]  }
0xcb: {  	s0 =	sor.u32 s0, s8;
	s1 =	sand.u32 $0x3FFFFE00, s31;
	vm13 =	vgt.f32 v49, v19;
	v23 =	vsel vm1, v23, v27;
	v27 =	vld [tilespmem:s13+$0x0];
	v17 =	vsel vm3, v26, v17  }
0xcc: {  	s15 =	sadd.s32 $0x10000, s1;
	s3 =	sor.u32 s6, s3;
	s13 =	sadd.s32 $0x4200, s24;
	v26 =	vld [tilespmem:s9+$0x300];
	v19 =	vsel vm13, v49, v19;
	v48 =	vsel vm3, $0x3, v1;
	v49 =	vsel vm13, $0x5, v2  }
0xcd: {  	s23 =	sor.u32 s23, s15;
	[tilespmem:s0+$0x0] =	vst v13;
	s1 =	sadd.s32 $0x4080, s24;
	v53 =	vld [tilespmem:s3+$0x0];
	s22 =	sor.u32 s16, s13;
	v13 =	vor.u32 $0x2, v57;
	vm5 =	vgt.f32 v17, v22;
	vm14 =	vgt.f32 v30, v18  }
0xce: {  	s17 =	sor.u32 s16, s1;
	v63 =	vld [tilespmem:s22+$0x0];
	v17 =	vsel vm5, v17, v22;
	v18 =	vsel vm14, v30, v18;
	[tilespmem:s23+$0x0] =	vst v28;
	v28 =	vsel vm12, v39, v36  }
0xcf: {  	[tilespmem:s30+$0x100] =	vst v15;
	s9 =	sadd.s32 $0x4100, s24;
	v22 =	vld [tilespmem:s17+$0x0];
	v30 =	vsel vm12, $0xB, v5;
	v15 =	vsel vm14, $0x7, v3;
	vm0 =	vgt.f32 v28, v14  }
0xd0: {  	s18 =	sor.u32 s16, s9;
	s17 =	sadd.s32 $0x4280, s24;
	v29 =	vld.idx.msk [tilespmem:v54+s14+$0x0], $0xffff;
	v14 =	vsel vm0, v28, v14;
	v28 =	vsel vm7, $0x9, v4;
	vm7 =	vgt.f32 v18, v19  }
0xd1: {  	s11 =	sadd.s32 $0x4180, s24;
	v32 =	vld [tilespmem:s18+$0x0];
	s22 =	sor.u32 s16, s17;
	vm3 =	vgt.f32 v31, v26;
	v18 =	vsel vm7, v18, v19;
	v19 =	vor.u32 $0x2, v20  }
0xd2: {  	s20 =	sor.u32 s16, s11;
	v50 =	vld [tilespmem:s22+$0x0];
	v26 =	vsel vm3, v31, v26;
	vm15 =	vgt.f32 v23, v14;
	v28 =	vsel vm0, v30, v28  }
0xd3: {  	s11 =	sor.u32 s6, s11;
	v36 =	vld [tilespmem:s20+$0x0];
	s20 =	sadd.s32 $0x4380, s24;
	v30 =	vsel vm1, v62, v60;
	v15 =	vsel vm7, v15, v49;
	v20 =	vor.u32 $0x3, v20  }
0xd4: {  	s31 =	sor.u32 s16, s20;
	v31 =	vld [tilespmem:s11+$0x0];
	vm1 =	vgt.f32 v58, v41;
	vm2 =	vgt.f32 v18, v17;
	v14 =	vsel vm15, v23, v14  }
0xd5: {  	v51 =	vld [tilespmem:s31+$0x0];
	v28 =	vsel vm15, v30, v28;
	v17 =	vsel vm2, v18, v17;
	v18 =	vsel vm5, v48, v61;
	[tilespmem:s23+$0x80] =	vst v29  }
0xd6: {  	v54 =	vsel vm1, $0x3, v1;
	vm0 =	vgt.f32 v14, v17;
	v15 =	vsel vm2, v15, v18;
	v19 =	vld.idx.msk [tilespmem:v19+s14+$0x0], $0xffff  }
0xd7: {  	s18 =	sadd.s32 $0x4300, s24;
	s17 =	sor.u32 s6, s17;
	v14 =	vor.u32 $0x2, v11;
	v29 =	vld.idx.msk [tilespmem:v12+s14+$0x0], $0xffff;
	v12 =	vor.u32 $0x3, v11;
	v11 =	vor.u32 $0x3, v57  }
0xd8: {  	s25 =	sor.u32 s16, s18;
	v62 =	vld [tilespmem:s17+$0x0];
	vm2 =	vgt.f32 v25, v59;
	v17 =	vsel vm0, v28, v15;
	v15 =	vor.u32 $0x1, v57  }
0xd9: {  	v23 =	vld [tilespmem:s25+$0x0];
	v55 =	vsel vm2, $0x5, v2;
	v25 =	vsel vm2, v25, v59;
	vm2 =	vgt.f32 v50, v63  }
0xda: {  	v30 =	vld.idx.msk [tilespmem:v56+s14+$0x0], $0xffff;
	s25 =	sor.u32 s6, s20;
	vm0 =	vgt.f32 v24, v21;
	v52 =	vshll.u32 v17, $0x3;
	v61 =	vsel vm2, $0xD, v6  }
0xdb: {  	v48 =	vld [tilespmem:s25+$0x0];
	v40 =	vsel vm2, v50, v63;
	v18 =	vor.u32 $0x1, v52;
	v17 =	vor.u32 $0x2, v52;
	[tilespmem:s23+$0x100] =	vst v19  }
0xdc: {  	v16 =	vor.u32 $0x3, v52;
	v19 =	vsel vm0, $0x1, v0;
	v56 =	vld.idx.msk [tilespmem:v20+s14+$0x0], $0xffff;
	v20 =	vsel vm0, v24, v21  }
0xdd: {  	s1 =	sor.u32 s6, s1;
	v28 =	vld.idx.msk [tilespmem:v57+s14+$0x0], $0xffff;
	v21 =	vsel vm1, v58, v41;
	v24 =	vsel vm3, $0x7, v3;
	vm0 =	vgt.f32 v22, v27  }
0xde: {  	s13 =	sor.u32 s6, s13;
	v57 =	vld [tilespmem:s1+$0x0];
	vm1 =	vgt.f32 v36, v32;
	vm3 =	vgt.f32 v51, v23;
	v60 =	vsel vm0, $0x9, v4  }
0xdf: {  	s22 =	sor.u32 s6, s18;
	v59 =	vld [tilespmem:s13+$0x0];
	v22 =	vsel vm0, v22, v27;
	v27 =	vsel vm1, $0xB, v5;
	v32 =	vsel vm1, v36, v32  }
0xe0: {  	s10 =	sor.u32 s6, s9;
	v63 =	vld [tilespmem:s22+$0x0];
	vm0 =	vgt.f32 v21, v20;
	vm1 =	vgt.f32 v26, v25;
	v23 =	vsel vm3, v51, v23  }
0xe1: {  	s31 =	sor.u32 s6, s24;
	v58 =	vld [tilespmem:s10+$0x0];
	v47 =	vsel vm3, $0xF, v7;
	v37 =	vsel vm0, v54, v19;
	v39 =	vsel vm1, v24, v55  }
0xe2: {  	v49 =	vsel vm0, v21, v20;
	v19 =	vld [tilespmem:s31+$0x0];
	vm0 =	vgt.f32 v32, v22;
	vm2 =	vgt.f32 v23, v40  }
0xe3: {  	[tilespmem:s28+$0x180] =	vst v8;
	v8 =	vsel vm1, v26, v25;
	v20 =	vld [tilespmem:s31+$0x80];
	v22 =	vsel vm0, v32, v22;
	v23 =	vsel vm2, v23, v40  }
0xe4: {  	[tilespmem:s4+$0x180] =	vst v10;
	v21 =	vld [tilespmem:s31+$0x100];
	v10 =	vsel vm0, v27, v60;
	vm0 =	vgt.f32 v8, v49;
	vm1 =	vgt.f32 v23, v22  }
0xe5: {  	[tilespmem:s29+$0x100] =	vst v34;
	v24 =	vld [tilespmem:s31+$0x180];
	v25 =	vsel vm2, v47, v61;
	v8 =	vsel vm0, v8, v49;
	v23 =	vsel vm1, v23, v22  }
0xe6: {  	[tilespmem:s0+$0x80] =	vst v30;
	v26 =	vsel vm0, v39, v37;
	v22 =	vld [tilespmem:s31+$0x200];
	v10 =	vsel vm1, v25, v10;
	vm0 =	vgt.f32 v23, v8  }
0xe7: {  	s2 =	sor.u32 s2, s12;
	[tilespmem:s30+$0x180] =	vst v29;
	vm5 =	vgt.f32 v57, v53;
	vm3 =	vgt.f32 v62, v59;
	v25 =	vld [tilespmem:s31+$0x280];
	v8 =	vsel vm0, v10, v26  }
0xe8: {  	[tilespmem:s2+$0x0] =	vst v28;
	v29 =	vsel vm3, v62, v59;
	vm1 =	vgt.f32 v31, v58;
	v23 =	vld [tilespmem:s31+$0x300];
	v8 =	vshll.u32 v8, $0x3  }
0xe9: {  	s8 =	simm.s32 $0x8;
	v27 =	vsel vm5, v57, v53;
	[tilespmem:s23+$0x180] =	vst v56;
	v28 =	vsel vm1, v31, v58;
	vm0 =	vgt.f32 v48, v63;
	v26 =	vld [tilespmem:s31+$0x380]  }
0xea: {  	s28 =	sshll.u32 s26, $0xF;
	s4 =	sor.u32 s5, s15;
	s5 =	simm.s32 $0x8;
	vm4 =	vgt.f32 v20, v19;
	vm2 =	vgt.f32 v24, v21;
	v10 =	vld.idx.msk [tilespmem:v52+s14+$0x0], $0xffff;
	v30 =	vsel vm0, v48, v63  }
.LBB2_3:
0xeb: {  	s8 =	sadd.s32 $0x2, s8;
	v19 =	vsel vm4, v20, v19;
	v20 =	vsel vm2, v24, v21;
	vm6 =	vgt.f32 v28, v27;
	s7 =	sadd.s32 $0x20, s7;
	v21 =	vld.idx.msk [tilespmem:v15+s14+$0x0], $0xffff  }
0xec: {  	vm7 =	vgt.f32 v30, v29;
	s11 =	sand.u32 $0x60, s7;
	s1 =	sshll.u32 s8, $0x7;
	p1 =	slt.u32 s8, $0x7E;
	vm10 =	vgt.f32 v25, v22;
	vm8 =	vgt.f32 v20, v19;
	v24 =	vld.idx.msk [tilespmem:v14+s14+$0x0], $0xffff  }
0xed: {  	s10 =	sand.u32 $0x3FFFFC00, s1;
	s13 =	sor.u32 $0x10, s11;
	v22 =	vsel vm10, v25, v22;
	v25 =	vsel vm6, v28, v27;
	v27 =	vsel vm7, v30, v29;
	v28 =	vld.idx.msk [tilespmem:v8+s14+$0x0], $0xffff  }
0xee: {  	v19 =	vsel vm8, v20, v19;
	s12 =	sor.u32 s11, s10;
	s9 =	sor.u32 s13, s10;
	vm11 =	vgt.f32 v26, v23;
	vm9 =	vgt.f32 v27, v25;
	v20 =	vld.idx.msk [tilespmem:v9+s14+$0x0], $0xffff  }
0xef: {  	v15 =	vmovc v18;
	v14 =	vmovc v13;
	s1 =	sshll.u32 s5, $0x6;
	v30 =	vor.u32 $0x1, v8;
	s5 =	smov.u32 s8;
	v29 =	vld [tilespmem:s9+$0x0];
	v23 =	vsel vm11, v26, v23;
	v26 =	vsel vm5, $0x9, v4  }
0xf0: {  	v18 =	vsel vm1, $0xB, v5;
	v32 =	vsel vm3, $0xD, v6;
	v13 =	vmovc v17;
	s1 =	sand.u32 $0x3FFFFE00, s1;
	v9 =	vmovc v12;
	v31 =	vld [tilespmem:s9+$0x80];
	vm1 =	vgt.f32 v23, v22;
	[tilespmem:s4+$0x0] =	vst v10  }
0xf1: {  	v17 =	vsel vm0, $0xF, v7;
	v12 =	vmovc v11;
	v11 =	vmovc v16;
	s1 =	sadd.s32 $0x10000, s1;
	v10 =	vsel vm4, $0x1, v0;
	v33 =	vld [tilespmem:s9+$0x100];
	v22 =	vsel vm1, v23, v22;
	[tilespmem:s2+$0x80] =	vst v21  }
0xf2: {  	v16 =	vsel vm2, $0x3, v1;
	s15 =	sor.u32 s6, s1;
	s1 =	sor.u32 s16, s1;
	s6 =	smov.u32 s11;
	v23 =	vsel vm10, $0x5, v2;
	v21 =	vld [tilespmem:s9+$0x180];
	vm0 =	vgt.f32 v22, v19;
	[tilespmem:s0+$0x100] =	vst v24  }
0xf3: {  	v34 =	vsel vm11, $0x7, v3;
	s16 =	smov.u32 s13;
	v24 =	vld [tilespmem:s9+$0x200];
	v19 =	vsel vm0, v22, v19;
	v22 =	vsel vm9, v27, v25;
	[tilespmem:s1+$0x0] =	vst v28  }
0xf4: {  	v17 =	vsel vm7, v17, v32;
	v10 =	vsel vm8, v16, v10;
	v16 =	vsel vm6, v18, v26;
	v25 =	vld.idx.msk [tilespmem:v30+s14+$0x0], $0xffff  }
0xf5: {  	v18 =	vsel vm1, v34, v23;
	v16 =	vsel vm9, v17, v16;
	vm1 =	vgt.f32 v22, v19;
	v26 =	vld [tilespmem:s9+$0x280];
	[tilespmem:s29+$0x180] =	vst v20;
	s29 =	smov.u32 s0;
	s0 =	smov.u32 s2;
	s2 =	smov.u32 s4  }
0xf6: {  	s11 =	sadd.s32 $0x4000, s10;
	v10 =	vsel vm0, v18, v10;
	v20 =	vor.u32 $0x2, v8;
	s4 =	smov.u32 s15;
	v19 =	vld [tilespmem:s9+$0x300]  }
0xf7: {  	s13 =	sor.u32 s6, s11;
	s15 =	sadd.s32 $0x4080, s10;
	v10 =	vsel vm1, v16, v10;
	v22 =	vld [tilespmem:s9+$0x380];
	s9 =	sor.u32 s16, s11  }
0xf8: {  	s17 =	sadd.s32 $0x4100, s10;
	v10 =	vshll.u32 v10, $0x3;
	s11 =	sor.u32 s6, s15;
	v23 =	vld [tilespmem:s9+$0x0];
	s9 =	sor.u32 s16, s15  }
0xf9: {  	v18 =	vor.u32 $0x1, v10;
	v17 =	vor.u32 $0x2, v10;
	v16 =	vor.u32 $0x3, v10;
	s15 =	sor.u32 s6, s17;
	v27 =	vld [tilespmem:s9+$0x0];
	s9 =	sor.u32 s16, s17  }
0xfa: {  	s17 =	sadd.s32 $0x4180, s10;
	v28 =	vld [tilespmem:s9+$0x0];
	[tilespmem:s1+$0x80] =	vst v25  }
0xfb: {  	s18 =	sadd.s32 $0x4200, s10;
	s9 =	sor.u32 s6, s17;
	s17 =	sor.u32 s16, s17;
	v20 =	vld.idx.msk [tilespmem:v20+s14+$0x0], $0xffff  }
0xfc: {  	s22 =	sadd.s32 $0x4280, s10;
	s20 =	sor.u32 s6, s18;
	v25 =	vld [tilespmem:s17+$0x0];
	s17 =	sor.u32 s16, s18  }
0xfd: {  	s23 =	sadd.s32 $0x4300, s10;
	v8 =	vor.u32 $0x3, v8;
	s18 =	sor.u32 s6, s22;
	v30 =	vld [tilespmem:s17+$0x0];
	s17 =	sor.u32 s16, s22  }
0xfe: {  	s10 =	sadd.s32 $0x4380, s10;
	s22 =	sor.u32 s6, s23;
	v32 =	vld [tilespmem:s17+$0x0];
	s17 =	sor.u32 s16, s23  }
0xff: {  	s23 =	sor.u32 s6, s10;
	s10 =	sor.u32 s16, s10;
	v34 =	vld [tilespmem:s17+$0x0]  }
0x100: {  	vm0 =	vgt.f32 v31, v29;
	v35 =	vld [tilespmem:s10+$0x0]  }
0x101: {  	vm1 =	vgt.f32 v21, v33;
	vm2 =	vgt.f32 v26, v24;
	vm3 =	vgt.f32 v22, v19;
	v36 =	vld [tilespmem:s13+$0x0];
	[tilespmem:s1+$0x100] =	vst v20  }
0x102: {  	v37 =	vsel vm1, $0x3, v1;
	v38 =	vsel vm2, $0x5, v2;
	v20 =	vsel vm0, $0x1, v0;
	v8 =	vld.idx.msk [tilespmem:v8+s14+$0x0], $0xffff  }
0x103: {  	v29 =	vsel vm0, v31, v29;
	v21 =	vsel vm1, v21, v33;
	v31 =	vsel vm3, $0x7, v3;
	v39 =	vld [tilespmem:s11+$0x0]  }
0x104: {  	v24 =	vsel vm2, v26, v24;
	v22 =	vsel vm3, v22, v19;
	vm0 =	vgt.f32 v27, v23;
	v33 =	vld [tilespmem:s15+$0x0]  }
0x105: {  	vm1 =	vgt.f32 v25, v28;
	vm2 =	vgt.f32 v32, v30;
	v40 =	vld [tilespmem:s9+$0x0];
	vm3 =	vgt.f32 v35, v34  }
0x106: {  	v26 =	vsel vm0, $0x9, v4;
	v42 =	vsel vm1, $0xB, v5;
	v43 =	vsel vm2, $0xD, v6;
	v41 =	vld [tilespmem:s20+$0x0]  }
0x107: {  	vm4 =	vgt.f32 v21, v29;
	vm5 =	vgt.f32 v22, v24;
	v45 =	vsel vm3, $0xF, v7;
	v44 =	vld [tilespmem:s18+$0x0]  }
0x108: {  	v23 =	vsel vm0, v27, v23;
	v25 =	vsel vm1, v25, v28;
	v27 =	vsel vm2, v32, v30;
	v46 =	vld [tilespmem:s22+$0x0];
	[tilespmem:s1+$0x180] =	vst v8  }
0x109: {  	v31 =	vsel vm5, v31, v38;
	v28 =	vsel vm4, v37, v20;
	v8 =	vsel vm3, v35, v34;
	v30 =	vld [tilespmem:s23+$0x0]  }
0x10a: {  	v29 =	vsel vm4, v21, v29;
	vm0 =	vgt.f32 v25, v23;
	vm1 =	vgt.f32 v8, v27;
	v19 =	vld [tilespmem:s12+$0x0]  }
0x10b: {  	v22 =	vsel vm5, v22, v24;
	v23 =	vsel vm0, v25, v23;
	v8 =	vsel vm1, v8, v27;
	v20 =	vld [tilespmem:s12+$0x80]  }
0x10c: {  	v25 =	vsel vm0, v42, v26;
	vm0 =	vgt.f32 v22, v29;
	vm2 =	vgt.f32 v8, v23;
	v21 =	vld [tilespmem:s12+$0x100]  }
0x10d: {  	v26 =	vsel vm1, v45, v43;
	v27 =	vsel vm0, v22, v29;
	v8 =	vsel vm2, v8, v23;
	v24 =	vld [tilespmem:s12+$0x180]  }
.Ltmp2:
0x10e: {  	v23 =	vsel vm0, v31, v28;
	v26 =	vsel vm2, v26, v25;
	vm0 =	vgt.f32 v8, v27;
	v22 =	vld [tilespmem:s12+$0x200];
	(pc) =	sbr.rel @p1 .LBB2_3-.Ltmp2, $4  }
0x10f: {  	vm5 =	vgt.f32 v39, v36;
	vm1 =	vgt.f32 v40, v33;
	v8 =	vsel vm0, v26, v23;
	v25 =	vld [tilespmem:s12+$0x280]  }
0x110: {  	vm3 =	vgt.f32 v44, v41;
	vm0 =	vgt.f32 v30, v46;
	v8 =	vshll.u32 v8, $0x3;
	v23 =	vld [tilespmem:s12+$0x300]  }
0x111: {  	v28 =	vsel vm1, v40, v33;
	v27 =	vsel vm5, v39, v36;
	vm4 =	vgt.f32 v20, v19;
	v26 =	vld [tilespmem:s12+$0x380]  }
0x112: {  	v29 =	vsel vm3, v44, v41;
	v30 =	vsel vm0, v30, v46;
	vm2 =	vgt.f32 v24, v21;
	v10 =	vld.idx.msk [tilespmem:v10+s14+$0x0], $0xffff  }
0x113: {  	v19 =	vsel vm4, v20, v19;
	v20 =	vsel vm2, v24, v21;
	vm6 =	vgt.f32 v28, v27  }
0x114: {  	vm9 =	vgt.f32 v30, v29;
	vm7 =	vgt.f32 v25, v22;
	vm8 =	vgt.f32 v20, v19  }
0x115: {  	v24 =	vsel vm9, v30, v29;
	v21 =	vsel vm7, v25, v22;
	v22 =	vsel vm6, v28, v27  }
0x116: {  	v19 =	vsel vm8, v20, v19;
	v25 =	vsel vm1, $0xB, v5;
	vm10 =	vgt.f32 v26, v23  }
0x117: {  	v27 =	vsel vm4, $0x1, v0;
	v28 =	vsel vm0, $0xF, v7;
	v20 =	vsel vm10, v26, v23  }
0x118: {  	v29 =	vsel vm7, $0x5, v2;
	vm11 =	vgt.f32 v24, v22;
	vm1 =	vgt.f32 v20, v21  }
0x119: {  	v23 =	vsel vm5, $0x9, v4;
	v26 =	vsel vm3, $0xD, v6;
	v20 =	vsel vm1, v20, v21  }
0x11a: {  	v30 =	vsel vm10, $0x7, v3;
	v21 =	vsel vm2, $0x3, v1;
	vm0 =	vgt.f32 v20, v19  }
0x11b: {  	v21 =	vsel vm8, v21, v27;
	v19 =	vsel vm0, v20, v19;
	v20 =	vsel vm11, v24, v22  }
0x11c: {  	v22 =	vsel vm6, v25, v23;
	v23 =	vsel vm9, v28, v26;
	v24 =	vsel vm1, v30, v29  }
0x11d: {  	v22 =	vsel vm11, v23, v22;
	vm1 =	vgt.f32 v20, v19;
	v19 =	vsel vm0, v24, v21  }
0x11e: {  	v19 =	vsel vm1, v22, v19  }
0x11f: {  	v19 =	vshll.u32 v19, $0x3  }
0x120: {  	v20 =	vld.idx.msk [tilespmem:v8+s14+$0x0], $0xffff  }
0x121: {  	s1 =	sshll.u32 s5, $0x6  }
0x122: {  	s1 =	sand.u32 $0x3FFFFE00, s1  }
0x123: {  	s1 =	sadd.s32 $0x10000, s1  }
0x124: {  	s17 =	sor.u32 s16, s1;
	v21 =	vor.u32 $0x1, v8;
	v22 =	vld.idx.msk [tilespmem:v19+s14+$0x0], $0xffff  }
0x125: {  	[tilespmem:s17+$0x0] =	vst v20;
	v20 =	vor.u32 $0x1, v19;
	_ =	sdelay $0x1  }
0x126: {  	v15 =	vld.idx.msk [tilespmem:v15+s14+$0x0], $0xffff;
	[tilespmem:s4+$0x0] =	vst v10  }
0x127: {  	s1 =	sor.u32 s6, s1;
	v10 =	vld.idx.msk [tilespmem:v18+s14+$0x0], $0xffff  }
0x128: {  	v21 =	vld.idx.msk [tilespmem:v21+s14+$0x0], $0xffff;
	[tilespmem:s1+$0x0] =	vst v22  }
0x129: {  	v23 =	vor.u32 $0x2, v8;
	v18 =	vld.idx.msk [tilespmem:v20+s14+$0x0], $0xffff  }
0x12a: {  	v20 =	vor.u32 $0x2, v19  }
0x12b: {  	v14 =	vld.idx.msk [tilespmem:v14+s14+$0x0], $0xffff;
	[tilespmem:s2+$0x80] =	vst v15  }
0x12c: {  	v13 =	vld.idx.msk [tilespmem:v13+s14+$0x0], $0xffff;
	[tilespmem:s4+$0x80] =	vst v10  }
0x12d: {  	v10 =	vld.idx.msk [tilespmem:v17+s14+$0x0], $0xffff;
	[tilespmem:s17+$0x80] =	vst v21  }
0x12e: {  	v21 =	vld.idx.msk [tilespmem:v23+s14+$0x0], $0xffff;
	[tilespmem:s1+$0x80] =	vst v18  }
0x12f: {  	v8 =	vor.u32 $0x3, v8;
	v15 =	vld.idx.msk [tilespmem:v20+s14+$0x0], $0xffff  }
0x130: {  	v9 =	vld.idx.msk [tilespmem:v9+s14+$0x0], $0xffff;
	[tilespmem:s0+$0x100] =	vst v14;
	v17 =	vor.u32 $0x3, v19  }
0x131: {  	v12 =	vld.idx.msk [tilespmem:v12+s14+$0x0], $0xffff;
	[tilespmem:s2+$0x100] =	vst v13  }
0x132: {  	v11 =	vld.idx.msk [tilespmem:v11+s14+$0x0], $0xffff;
	[tilespmem:s4+$0x100] =	vst v10  }
0x133: {  	v10 =	vld.idx.msk [tilespmem:v16+s14+$0x0], $0xffff;
	[tilespmem:s17+$0x100] =	vst v21  }
0x134: {  	v8 =	vld.idx.msk [tilespmem:v8+s14+$0x0], $0xffff;
	[tilespmem:s1+$0x100] =	vst v15  }
0x135: {  	[tilespmem:s29+$0x180] =	vst v9;
	v9 =	vld.idx.msk [tilespmem:v17+s14+$0x0], $0xffff  }
0x136: {  	[tilespmem:s0+$0x180] =	vst v12  }
0x137: {  	[tilespmem:s2+$0x180] =	vst v11  }
0x138: {  	[tilespmem:s4+$0x180] =	vst v10  }
0x139: {  	[tilespmem:s17+$0x180] =	vst v8  }
0x13a: {  	[tilespmem:s1+$0x180] =	vst v9  }
0x13b: {  	s29 =	sshll.u32 s26, $0xB;
	s0 =	rddreg [dreg:$0x9]  }
0x13c: {  	s18 =	simm.s32 $0x10000;
	s0 =	sadd.s32 s29, s0  }
0x13d: {  	[hbm4b:s0+s19] =	stream.linear.scatter [tilespmem:s18], [sflag:$0x3], $0x2000, $0x38;
	[tilespmem:$0x14080] =	vst v63  }
0x13e: {  	p1 =	seq.s32 s26, $0x7;
	s0 =	rddreg [dreg:$0xa]  }
0x13f: {  	s0 =	sadd.s32 @!p1 s28, s0  }
0x140: {  	s1 =	rddreg [dreg:$0x0];
	s0 =	sshrl.u32 @!p1 s0, $0x3  }
0x141: {  	s0 =	sadd.s32 @!p1 s1, s0;
	s1 =	simm.s32 @!p1 $0x0  }
0x142: {  	[tilespmem:s1], [sflag:$0x1] =	stream.linear.gather @!p1 [hbm4b:s0+s1], $0x4000, $0x38;
	[tilespmem:$0x14080] =	vst v63  }
0x143: {  	s2 =	simm.s32 @!p1 $0x4000;
	s0 =	sadd.s32 @!p1 $0x100000, s0  }
0x144: {  	[tilespmem:s2], [sflag:$0x1] =	stream.linear.gather @!p1 [hbm4b:s0+s1], $0x4000, $0x38;
	[tilespmem:$0x14080] =	vst v63  }
0x145: {  	_ =	swait.ge [sflag:s21], $0x4000  }
0x146: {  	[sflag:s21] =	ssyncset.done $0x0  }
0x147: {  	[sflag:s21] =	ssyncadd.s32 $0xFFFFC000  }
0x148: {  	_ =	swait.ge [sflag:s21], $0x4000  }
0x149: {  	s20 =	simm.s32 $0x0;
	[sflag:s21] =	ssyncset.done $0x0  }
0x14a: {  	s22 =	simm.s32 $0x0;
	s0 =	simm.s32 @!p0 $0x4;
	[sflag:s21] =	ssyncadd.s32 $0xFFFFC000  }
0x14b: {  	s30 =	sand.u32 $0x60, s20;
	s23 =	sand.u32 $0x3FFFFC00, s22;
	_ =	swait.ge @!p0 [sflag:s0], $0x2000  }
0x14c: {  	s24 =	sadd.s32 $0x8000, s23;
	s25 =	sor.u32 $0x10, s30;
	[sflag:s0] =	ssyncset.done @!p0 $0x0  }
0x14d: {  	[sflag:s0] =	ssyncadd.s32 @!p0 $0xFFFFE000;
	s0 =	sor.u32 s25, s24  }
0x14e: {  	v8 =	vld [tilespmem:s0+$0x0]  }
0x14f: {  	v9 =	vld [tilespmem:s0+$0x80]  }
0x150: {  	v10 =	vld [tilespmem:s0+$0x100]  }
0x151: {  	v11 =	vld [tilespmem:s0+$0x180]  }
0x152: {  	v12 =	vld [tilespmem:s0+$0x200]  }
0x153: {  	v13 =	vld [tilespmem:s0+$0x280]  }
0x154: {  	s3 =	sadd.s32 $0xC000, s23;
	v14 =	vld [tilespmem:s0+$0x300]  }
0x155: {  	s9 =	sor.u32 s25, s3;
	s1 =	sadd.s32 $0xC080, s23;
	v15 =	vld [tilespmem:s0+$0x380]  }
0x156: {  	s11 =	sadd.s32 $0xC100, s23;
	s10 =	sor.u32 s25, s1;
	v16 =	vld [tilespmem:s9+$0x0]  }
0x157: {  	s12 =	sadd.s32 $0xC180, s23;
	s13 =	sor.u32 s25, s11;
	v17 =	vld [tilespmem:s10+$0x0]  }
0x158: {  	s7 =	sadd.s32 $0xC200, s23;
	s15 =	sor.u32 s25, s12;
	v18 =	vld [tilespmem:s13+$0x0]  }
0x159: {  	s16 =	sor.u32 s25, s7;
	s6 =	sadd.s32 $0xC300, s23;
	v19 =	vld [tilespmem:s15+$0x0]  }
0x15a: {  	s4 =	sadd.s32 $0xC380, s23;
	s17 =	sor.u32 s25, s6;
	v20 =	vld [tilespmem:s16+$0x0]  }
0x15b: {  	s18 =	sor.u32 s25, s4;
	v22 =	vld [tilespmem:s17+$0x0]  }
0x15c: {  	s8 =	sadd.s32 $0xC280, s23;
	s1 =	sor.u32 s30, s1;
	v23 =	vld [tilespmem:s18+$0x0]  }
0x15d: {  	s9 =	sor.u32 s25, s8;
	v35 =	vld [tilespmem:s1+$0x0]  }
0x15e: {  	s11 =	sor.u32 s30, s11;
	v21 =	vld [tilespmem:s9+$0x0]  }
0x15f: {  	s7 =	sor.u32 s30, s7;
	v37 =	vld [tilespmem:s11+$0x0]  }
0x160: {  	s4 =	sor.u32 s30, s4;
	v40 =	vld [tilespmem:s7+$0x0];
	vm0 =	vgt.f32 v9, v8;
	vm1 =	vgt.f32 v11, v10;
	vm2 =	vgt.f32 v13, v12  }
0x161: {  	s5 =	sor.u32 s30, s24;
	v51 =	vld [tilespmem:s4+$0x0];
	vm3 =	vgt.f32 v15, v14;
	vm13 =	vgt.f32 v17, v16;
	vm14 =	vgt.f32 v19, v18  }
0x162: {  	v8 =	vsel vm0, v9, v8;
	v9 =	vsel vm1, v11, v10;
	v10 =	vsel vm2, v13, v12;
	v12 =	vld [tilespmem:s5+$0x0]  }
0x163: {  	vm9 =	vgt.f32 v23, v22;
	vm15 =	vgt.f32 v21, v20;
	v13 =	vsel vm13, v17, v16;
	v17 =	vld [tilespmem:s5+$0x180]  }
0x164: {  	v24 =	vsel vm0, $0x1, v0;
	v25 =	vsel vm1, $0x3, v1;
	v16 =	vsel vm9, v23, v22;
	v22 =	vld [tilespmem:s5+$0x280]  }
0x165: {  	v26 =	vsel vm2, $0x5, v2;
	v11 =	vsel vm3, v15, v14;
	v14 =	vsel vm14, v19, v18;
	v23 =	vld [tilespmem:s5+$0x300]  }
0x166: {  	v15 =	vsel vm15, v21, v20;
	vm1 =	vgt.f32 v11, v10;
	vm2 =	vgt.f32 v14, v13;
	v21 =	vld [tilespmem:s5+$0x200]  }
0x167: {  	s19 =	simm.s32 $0x100;
	vm0 =	vgt.f32 v9, v8;
	v10 =	vsel vm1, v11, v10;
	v11 =	vsel vm2, v14, v13;
	v14 =	vld [tilespmem:s5+$0x80]  }
0x168: {  	s10 =	simm.s32 $0x20;
	s13 =	sand.u32 $0x3FFFFC00, s19;
	s0 =	sor.u32 s30, s3;
	v27 =	vsel vm3, $0x7, v3;
	v8 =	vsel vm0, v9, v8;
	v9 =	vsel vm0, v25, v24;
	v24 =	vld [tilespmem:s5+$0x380]  }
0x169: {  	s22 =	simm.s32 $0x0;
	s31 =	sand.u32 $0x60, s10;
	s9 =	sadd.s32 $0x8000, s13;
	vm3 =	vgt.f32 v16, v15;
	v18 =	vsel vm1, v27, v26;
	v27 =	vld [tilespmem:s0+$0x0]  }
0x16a: {  	v28 =	vsel vm13, $0x9, v4;
	v29 =	vsel vm14, $0xB, v5;
	s0 =	sand.u32 $0x3FFFFE00, s22;
	s22 =	sor.u32 s30, s12;
	v13 =	vsel vm3, v16, v15;
	v16 =	vld [tilespmem:s5+$0x100];
	s5 =	sor.u32 $0x10, s31  }
0x16b: {  	v31 =	vsel vm9, $0xF, v7;
	vm0 =	vgt.f32 v10, v8;
	v39 =	vld [tilespmem:s22+$0x0];
	vm1 =	vgt.f32 v13, v11;
	s20 =	sor.u32 s5, s9  }
0x16c: {  	v30 =	vsel vm15, $0xD, v6;
	v8 =	vsel vm0, v10, v8;
	v10 =	vsel vm1, v13, v11;
	v13 =	vld [tilespmem:s20+$0x100]  }
0x16d: {  	v15 =	vsel vm2, v29, v28;
	v19 =	vsel vm3, v31, v30;
	v9 =	vsel vm0, v18, v9;
	v18 =	vld [tilespmem:s20+$0x180]  }
0x16e: {  	v11 =	vsel vm1, v19, v15;
	v19 =	vld [tilespmem:s20+$0x200]  }
0x16f: {  	s18 =	sadd.s32 $0xC000, s13;
	v20 =	vld [tilespmem:s20+$0x280]  }
0x170: {  	s17 =	sadd.s32 $0xC080, s13;
	s23 =	sor.u32 s5, s18;
	v25 =	vld [tilespmem:s20+$0x300]  }
0x171: {  	s16 =	sadd.s32 $0xC100, s13;
	s15 =	sor.u32 s5, s17;
	v26 =	vld [tilespmem:s23+$0x0]  }
0x172: {  	s10 =	sadd.s32 $0xC180, s13;
	s0 =	sadd.s32 $0x12000, s0;
	s24 =	sor.u32 s5, s16;
	v28 =	vld [tilespmem:s15+$0x0]  }
0x173: {  	s2 =	sor.u32 s25, s0;
	s25 =	sor.u32 s5, s10;
	v29 =	vld [tilespmem:s24+$0x0];
	vm0 =	vgt.f32 v10, v8  }
0x174: {  	v30 =	vld [tilespmem:s25+$0x0];
	v8 =	vsel vm0, v11, v9  }
0x175: {  	s23 =	sadd.s32 $0xC200, s13;
	v9 =	vld [tilespmem:s20+$0x0];
	v8 =	vshll.u32 v8, $0x3  }
0x176: {  	s3 =	sor.u32 s5, s23;
	v11 =	vld [tilespmem:s20+$0x80]  }
0x177: {  	s24 =	sadd.s32 $0xC300, s13;
	v31 =	vld [tilespmem:s3+$0x0];
	s3 =	sor.u32 s30, s8  }
0x178: {  	s11 =	sor.u32 s31, s18;
	s12 =	sor.u32 s31, s17;
	s19 =	sor.u32 s5, s24;
	v41 =	vld [tilespmem:s3+$0x0]  }
0x179: {  	s9 =	sor.u32 s31, s9;
	s17 =	simm.s32 $0x40;
	s25 =	sadd.s32 $0xC280, s13;
	v33 =	vld [tilespmem:s19+$0x0]  }
0x17a: {  	s15 =	sadd.s32 $0xC380, s13;
	s13 =	simm.s32 $0x200;
	s8 =	sor.u32 s30, s6;
	v10 =	vld.idx.msk [tilespmem:v8+s14+$0x0], $0xffff  }
0x17b: {  	s18 =	sor.u32 s31, s16;
	s16 =	sand.u32 $0x60, s17;
	s7 =	sand.u32 $0x3FFFFC00, s13;
	v47 =	vld [tilespmem:s8+$0x0];
	v15 =	vor.u32 $0x1, v8;
	vm1 =	vgt.f32 v18, v13  }
0x17c: {  	s4 =	sor.u32 $0x10, s16;
	s1 =	sadd.s32 $0xC080, s7;
	v36 =	vor.u32 $0x2, v8;
	v18 =	vsel vm1, v18, v13;
	v13 =	vld [tilespmem:s9+$0x100];
	vm0 =	vgt.f32 v11, v9  }
0x17d: {  	s3 =	sor.u32 s4, s1;
	v38 =	vor.u32 $0x3, v8;
	v11 =	vsel vm0, v11, v9;
	v8 =	vld [tilespmem:s9+$0x0];
	vm7 =	vgt.f32 v41, v40  }
0x17e: {  	v42 =	vsel vm0, $0x1, v0;
	vm0 =	vgt.f32 v18, v11;
	v53 =	vsel vm7, v41, v40;
	v41 =	vld [tilespmem:s3+$0x0]  }
0x17f: {  	v11 =	vsel vm0, v18, v11;
	v18 =	vld [tilespmem:s9+$0x200];
	[tilespmem:s2+$0x0] =	vst v10  }
0x180: {  	v10 =	vld.idx.msk [tilespmem:v15+s14+$0x0], $0xffff  }
0x181: {  	v15 =	vld [tilespmem:s20+$0x380];
	s20 =	sor.u32 s5, s25  }
0x182: {  	s17 =	sadd.s32 $0x8000, s7;
	v32 =	vld [tilespmem:s20+$0x0];
	s20 =	sor.u32 s5, s15  }
0x183: {  	vm14 =	vgt.f32 v14, v12;
	vm4 =	vgt.f32 v17, v16;
	v34 =	vld [tilespmem:s20+$0x0];
	s20 =	sor.u32 s4, s17  }
0x184: {  	vm8 =	vgt.f32 v22, v21;
	v12 =	vsel vm14, v14, v12;
	v14 =	vsel vm4, v17, v16;
	v16 =	vld [tilespmem:s20+$0x100]  }
0x185: {  	vm5 =	vgt.f32 v35, v27;
	v17 =	vsel vm8, v22, v21;
	vm2 =	vgt.f32 v20, v19;
	v22 =	vld [tilespmem:s20+$0x180]  }
0x186: {  	vm10 =	vgt.f32 v28, v26;
	vm11 =	vgt.f32 v30, v29;
	v43 =	vsel vm1, $0x3, v1;
	[tilespmem:s2+$0x80] =	vst v10;
	v10 =	vld [tilespmem:s9+$0x80]  }
0x187: {  	v44 =	vsel vm2, $0x5, v2;
	v46 =	vsel vm10, $0x9, v4;
	vm3 =	vgt.f32 v15, v25;
	v36 =	vld.idx.msk [tilespmem:v36+s14+$0x0], $0xffff  }
0x188: {  	s19 =	sor.u32 s31, s10;
	v19 =	vsel vm2, v20, v19;
	vm12 =	vgt.f32 v32, v31;
	v20 =	vsel vm3, v15, v25;
	v15 =	vld [tilespmem:s9+$0x180]  }
0x189: {  	v25 =	vsel vm10, v28, v26;
	v28 =	vsel vm12, v32, v31;
	vm1 =	vgt.f32 v20, v19;
	v32 =	vld [tilespmem:s19+$0x0]  }
0x18a: {  	s10 =	sadd.s32 $0xC000, s7;
	v48 =	vsel vm11, $0xB, v5;
	vm13 =	vgt.f32 v34, v33;
	v20 =	vsel vm1, v20, v19;
	v19 =	vld [tilespmem:s9+$0x280]  }
0x18b: {  	s22 =	sor.u32 s4, s10;
	v45 =	vsel vm3, $0x7, v3;
	v26 =	vsel vm11, v30, v29;
	v29 =	vsel vm13, v34, v33;
	v33 =	vld [tilespmem:s20+$0x80]  }
0x18c: {  	v30 =	vsel vm0, v43, v42;
	vm2 =	vgt.f32 v26, v25;
	v34 =	vld [tilespmem:s22+$0x0];
	s22 =	sadd.s32 $0xC280, s7;
	vm0 =	vgt.f32 v20, v11  }
0x18d: {  	v25 =	vsel vm2, v26, v25;
	vm3 =	vgt.f32 v29, v28;
	s19 =	sor.u32 s4, s22;
	v11 =	vsel vm0, v20, v11;
	v20 =	vld [tilespmem:s9+$0x300]  }
0x18e: {  	v26 =	vsel vm3, v29, v28;
	v28 =	vsel vm2, v48, v46;
	vm2 =	vgt.f32 v24, v23;
	v42 =	vld [tilespmem:s19+$0x0]  }
0x18f: {  	v21 =	vsel vm2, v24, v23;
	v23 =	vsel vm5, v35, v27;
	v27 =	vld [tilespmem:s20+$0x200]  }
0x190: {  	vm6 =	vgt.f32 v39, v37;
	[tilespmem:s2+$0x100] =	vst v36;
	v36 =	vld [tilespmem:s20+$0x280]  }
0x191: {  	s19 =	sor.u32 s31, s23;
	v24 =	vsel vm6, v39, v37;
	v37 =	vld [tilespmem:s20+$0x300]  }
0x192: {  	v31 =	vsel vm1, v45, v44;
	s23 =	sor.u32 s31, s25;
	v44 =	vld [tilespmem:s19+$0x0]  }
0x193: {  	v49 =	vsel vm12, $0xD, v6;
	v50 =	vsel vm13, $0xF, v7;
	v45 =	vld [tilespmem:s23+$0x0]  }
0x194: {  	v29 =	vsel vm3, v50, v49;
	vm1 =	vgt.f32 v26, v25;
	v9 =	vld.idx.msk [tilespmem:v38+s14+$0x0], $0xffff  }
0x195: {  	v28 =	vsel vm1, v29, v28;
	v29 =	vld [tilespmem:s12+$0x0]  }
0x196: {  	v25 =	vsel vm1, v26, v25;
	v26 =	vsel vm0, v31, v30;
	v31 =	vld [tilespmem:s18+$0x0]  }
0x197: {  	v56 =	vsel vm8, $0x5, v2;
	vm0 =	vgt.f32 v25, v11;
	v25 =	vld [tilespmem:s9+$0x380]  }
0x198: {  	v58 =	vsel vm5, $0x9, v4;
	v55 =	vsel vm4, $0x3, v1;
	s18 =	sadd.s32 $0xC180, s7;
	v11 =	vsel vm0, v28, v26;
	v26 =	vld [tilespmem:s11+$0x0]  }
0x199: {  	v59 =	vsel vm6, $0xB, v5;
	v60 =	vsel vm7, $0xD, v6;
	vm11 =	vgt.f32 v51, v47;
	s9 =	sor.u32 s4, s18;
	v28 =	vld [tilespmem:s20+$0x0]  }
0x19a: {  	v54 =	vsel vm11, v51, v47;
	vm3 =	vgt.f32 v14, v12;
	vm0 =	vgt.f32 v21, v17;
	v63 =	vld [tilespmem:s9+$0x0]  }
0x19b: {  	v61 =	vsel vm11, $0xF, v7;
	v12 =	vsel vm3, v14, v12;
	s9 =	sor.u32 s16, s17;
	v14 =	vsel vm0, v21, v17;
	v21 =	vld [tilespmem:s20+$0x380]  }
0x19c: {  	vm9 =	vgt.f32 v54, v53;
	v57 =	vsel vm2, $0x7, v3;
	vm1 =	vgt.f32 v24, v23;
	s11 =	sadd.s32 $0xC100, s7;
	v39 =	vld [tilespmem:s9+$0x0]  }
0x19d: {  	vm4 =	vgt.f32 v15, v13;
	v11 =	vshll.u32 v11, $0x3;
	v17 =	vsel vm1, v24, v23;
	s8 =	sor.u32 s4, s11;
	v40 =	vld [tilespmem:s9+$0x80]  }
0x19e: {  	v23 =	vsel vm9, v54, v53;
	s20 =	sadd.s32 $0xC200, s7;
	v54 =	vsel vm1, v59, v58;
	vm1 =	vgt.f32 v22, v16;
	v43 =	vld [tilespmem:s8+$0x0]  }
0x19f: {  	vm10 =	vgt.f32 v14, v12;
	vm12 =	vgt.f32 v23, v17;
	s13 =	sor.u32 s4, s20;
	v16 =	vsel vm1, v22, v16;
	v22 =	vld [tilespmem:s9+$0x180]  }
0x1a0: {  	s25 =	sor.u32 s31, s24;
	v24 =	vsel vm14, $0x1, v0;
	v12 =	vsel vm10, v14, v12;
	v14 =	vsel vm12, v23, v17;
	v23 =	vld [tilespmem:s13+$0x0]  }
0x1a1: {  	s6 =	sadd.s32 $0xC300, s7;
	vm2 =	vgt.f32 v36, v27;
	v17 =	vsel vm3, v55, v24;
	v24 =	vsel vm0, v57, v56;
	v56 =	vld [tilespmem:s25+$0x0]  }
0x1a2: {  	s3 =	sor.u32 s4, s6;
	v13 =	vsel vm4, v15, v13;
	vm15 =	vgt.f32 v41, v34;
	s7 =	sadd.s32 $0xC380, s7;
	v36 =	vsel vm2, v36, v27;
	v27 =	vld [tilespmem:s9+$0x280]  }
0x1a3: {  	v52 =	vsel vm15, $0x9, v4;
	v55 =	vsel vm9, v61, v60;
	s13 =	sor.u32 s4, s7;
	s7 =	sor.u32 s16, s7;
	v17 =	vsel vm10, v24, v17;
	v24 =	vld [tilespmem:s3+$0x0]  }
0x1a4: {  	v34 =	vsel vm15, v41, v34;
	vm0 =	vgt.f32 v14, v12;
	v12 =	vsel vm12, v55, v54;
	v48 =	vld [tilespmem:s7+$0x0]  }
0x1a5: {  	v62 =	vor.u32 $0x1, v11;
	v59 =	vsel vm1, $0x3, v1;
	v12 =	vsel vm0, v12, v17;
	v17 =	vld [tilespmem:s13+$0x0]  }
0x1a6: {  	vm6 =	vgt.f32 v45, v44;
	v60 =	vsel vm2, $0x5, v2;
	s3 =	sor.u32 s31, s15;
	vm0 =	vgt.f32 v33, v28;
	v30 =	vld.idx.msk [tilespmem:v11+s14+$0x0], $0xffff  }
0x1a7: {  	s12 =	simm.s32 $0x80;
	v57 =	vld [tilespmem:s3+$0x0];
	v38 =	vshll.u32 v12, $0x3;
	vm3 =	vgt.f32 v21, v37;
	v28 =	vsel vm0, v33, v28  }
0x1a8: {  	s8 =	sand.u32 $0x3FFFFE00, s12;
	v58 =	vsel vm0, $0x1, v0;
	v37 =	vsel vm3, v21, v37;
	v21 =	vld [tilespmem:s9+$0x100];
	vm0 =	vgt.f32 v16, v28  }
0x1a9: {  	s8 =	sadd.s32 $0x12000, s8;
	vm5 =	vgt.f32 v29, v26;
	vm10 =	vgt.f32 v42, v23;
	v16 =	vsel vm0, v16, v28;
	v28 =	vld [tilespmem:s9+$0x380]  }
0x1aa: {  	s23 =	sor.u32 s16, s22;
	s12 =	sor.u32 s5, s8;
	vm9 =	vgt.f32 v63, v43;
	vm1 =	vgt.f32 v37, v36;
	v42 =	vsel vm10, v42, v23;
	v23 =	vld [tilespmem:s9+$0x200]  }
0x1ab: {  	v61 =	vsel vm3, $0x7, v3;
	v63 =	vsel vm9, v63, v43;
	v36 =	vsel vm1, v37, v36;
	v37 =	vld [tilespmem:s23+$0x0];
	[tilespmem:s12+$0x0] =	vst v30  }
0x1ac: {  	v35 =	vsel vm0, v59, v58;
	v58 =	vsel vm6, $0xD, v6;
	vm2 =	vgt.f32 v63, v34;
	v14 =	vld.idx.msk [tilespmem:v62+s14+$0x0], $0xffff  }
0x1ad: {  	v47 =	vsel vm1, v61, v60;
	vm11 =	vgt.f32 v17, v24;
	v30 =	vor.u32 $0x2, v11;
	v12 =	vld.idx.msk [tilespmem:v38+s14+$0x0], $0xffff  }
0x1ae: {  	s17 =	sor.u32 s16, s18;
	v34 =	vsel vm2, v63, v34;
	vm0 =	vgt.f32 v36, v16;
	v17 =	vsel vm11, v17, v24;
	v24 =	vld [tilespmem:s9+$0x300]  }
0x1af: {  	s20 =	sor.u32 s16, s20;
	v53 =	vsel vm11, $0xF, v7;
	v16 =	vsel vm0, v36, v16;
	v50 =	vsel vm0, v47, v35;
	v35 =	vld [tilespmem:s17+$0x0]  }
0x1b0: {  	s6 =	sor.u32 s16, s6;
	v36 =	vld [tilespmem:s20+$0x0];
	v62 =	vsel vm10, $0xD, v6;
	vm3 =	vgt.f32 v17, v42;
	vm10 =	vgt.f32 v57, v56  }
0x1b1: {  	v47 =	vld [tilespmem:s6+$0x0];
	v17 =	vsel vm3, v17, v42;
	v33 =	vsel vm3, v53, v62;
	vm3 =	vgt.f32 v10, v8;
	[tilespmem:s12+$0x80] =	vst v14  }
0x1b2: {  	s19 =	simm.s32 $0x60;
	s18 =	simm.s32 $0x300;
	s13 =	sor.u32 s16, s10;
	v53 =	vsel vm4, $0x3, v1;
	vm1 =	vgt.f32 v17, v34;
	v14 =	vld.idx.msk [tilespmem:v30+s14+$0x0], $0xffff;
	v30 =	vsel vm9, $0xB, v5  }
0x1b3: {  	s1 =	sor.u32 s16, s1;
	s5 =	sand.u32 $0x60, s19;
	v59 =	vsel vm10, $0xF, v7;
	v17 =	vsel vm1, v17, v34;
	v49 =	vsel vm2, v30, v52;
	v30 =	vld [tilespmem:s13+$0x0];
	s13 =	sand.u32 $0x3FFFFC00, s18  }
0x1b4: {  	s15 =	sor.u32 s16, s11;
	s24 =	sor.u32 $0x10, s5;
	v8 =	vsel vm3, v10, v8;
	vm0 =	vgt.f32 v17, v16;
	v51 =	vsel vm1, v33, v49;
	v33 =	vld [tilespmem:s1+$0x0];
	s1 =	sadd.s32 $0x8000, s13  }
0x1b5: {  	v34 =	vld [tilespmem:s15+$0x0];
	vm9 =	vgt.f32 v13, v8;
	vm2 =	vgt.f32 v32, v31;
	v52 =	vsel vm10, v57, v56;
	s25 =	sor.u32 s24, s1  }
0x1b6: {  	vm1 =	vgt.f32 v25, v20;
	v16 =	vsel vm0, v51, v50;
	vm0 =	vgt.f32 v19, v18;
	v10 =	vld [tilespmem:s25+$0x0]  }
0x1b7: {  	v15 =	vsel vm0, v19, v18;
	v18 =	vsel vm1, v25, v20;
	v20 =	vsel vm5, v29, v26;
	v26 =	vld [tilespmem:s25+$0x80]  }
0x1b8: {  	v8 =	vsel vm9, v13, v8;
	v56 =	vsel vm5, $0x9, v4;
	v25 =	vsel vm2, v32, v31;
	v31 =	vld [tilespmem:s25+$0x100]  }
0x1b9: {  	v57 =	vsel vm2, $0xB, v5;
	v55 =	vsel vm1, $0x7, v3;
	v17 =	vshll.u32 v16, $0x3;
	v41 =	vld [tilespmem:s25+$0x180]  }
0x1ba: {  	s18 =	sadd.s32 $0xC000, s13;
	v16 =	vor.u32 $0x1, v38;
	v29 =	vsel vm6, v45, v44;
	v42 =	vld [tilespmem:s25+$0x300];
	v54 =	vsel vm0, $0x5, v2  }
0x1bb: {  	s11 =	sadd.s32 $0xC100, s13;
	s3 =	sor.u32 s24, s18;
	v46 =	vld [tilespmem:s25+$0x380];
	vm1 =	vgt.f32 v27, v23;
	vm2 =	vgt.f32 v28, v24;
	vm6 =	vgt.f32 v37, v36  }
0x1bc: {  	s17 =	sor.u32 s24, s11;
	v60 =	vld [tilespmem:s3+$0x0];
	vm7 =	vgt.f32 v18, v15;
	vm8 =	vgt.f32 v25, v20;
	vm11 =	vgt.f32 v52, v29  }
0x1bd: {  	s1 =	sor.u32 s5, s1;
	v63 =	vld [tilespmem:s17+$0x0];
	v23 =	vsel vm1, v27, v23;
	v13 =	vsel vm7, v18, v15;
	v18 =	vsel vm8, v25, v20  }
0x1be: {  	s10 =	sadd.s32 $0xC080, s13;
	v43 =	vld [tilespmem:s1+$0x180];
	v20 =	vsel vm11, v52, v29;
	v25 =	vsel vm3, $0x1, v0;
	vm3 =	vgt.f32 v13, v8  }
0x1bf: {  	s6 =	sor.u32 s5, s10;
	v49 =	vld [tilespmem:s1+$0x300];
	v61 =	vsel vm8, v57, v56;
	vm12 =	vgt.f32 v20, v18;
	v8 =	vsel vm3, v13, v8  }
0x1c0: {  	v50 =	vld [tilespmem:s6+$0x0];
	v13 =	vsel vm12, v20, v18;
	v18 =	vsel vm9, v53, v25;
	v20 =	vsel vm7, v55, v54  }
0x1c1: {  	v15 =	vld [tilespmem:s25+$0x200];
	v62 =	vsel vm11, v59, v58;
	v20 =	vsel vm3, v20, v18;
	vm0 =	vgt.f32 v13, v8  }
0x1c2: {  	s15 =	sor.u32 s24, s10;
	v29 =	vld [tilespmem:s25+$0x280];
	s25 =	sadd.s32 $0xC180, s13;
	v13 =	vsel vm12, v62, v61;
	v18 =	vor.u32 $0x2, v38;
	v8 =	vor.u32 $0x3, v38  }
0x1c3: {  	s20 =	sadd.s32 $0xC200, s13;
	s19 =	sor.u32 s24, s25;
	v25 =	vld [tilespmem:s15+$0x0];
	vm3 =	vgt.f32 v22, v21;
	vm4 =	vgt.f32 v26, v10;
	vm5 =	vgt.f32 v41, v31  }
0x1c4: {  	s9 =	sadd.s32 $0xC280, s13;
	s22 =	sor.u32 s24, s20;
	v52 =	vld [tilespmem:s19+$0x0];
	vm7 =	vgt.f32 v46, v42;
	v13 =	vsel vm0, v13, v20;
	vm0 =	vgt.f32 v40, v39  }
0x1c5: {  	s23 =	sor.u32 s24, s9;
	v53 =	vld [tilespmem:s22+$0x0];
	v10 =	vsel vm4, v26, v10;
	v26 =	vsel vm5, v41, v31;
	v31 =	vsel vm4, $0x1, v0  }
0x1c6: {  	s17 =	sadd.s32 $0xC380, s13;
	v54 =	vld [tilespmem:s23+$0x0];
	v57 =	vsel vm5, $0x3, v1;
	v42 =	vsel vm7, v46, v42;
	v59 =	vsel vm7, $0x7, v3  }
0x1c7: {  	s22 =	sadd.s32 $0xC300, s13;
	s23 =	sor.u32 s24, s17;
	v19 =	vld.idx.msk [tilespmem:v17+s14+$0x0], $0xffff;
	vm4 =	vgt.f32 v33, v30;
	vm5 =	vgt.f32 v35, v34;
	vm7 =	vgt.f32 v48, v47  }
0x1c8: {  	s15 =	sor.u32 s24, s22;
	v56 =	vld [tilespmem:s23+$0x0];
	v20 =	vshll.u32 v13, $0x3;
	v13 =	vor.u32 $0x1, v17;
	vm12 =	vgt.f32 v29, v15  }
0x1c9: {  	s3 =	simm.s32 $0x100;
	v55 =	vld [tilespmem:s15+$0x0];
	v39 =	vsel vm0, v40, v39;
	v27 =	vsel vm5, v35, v34;
	v29 =	vsel vm12, v29, v15  }
0x1ca: {  	[tilespmem:s2+$0x180] =	vst v9;
	s19 =	sand.u32 $0x3FFFFE00, s3;
	v46 =	vld [tilespmem:s1+$0x80];
	v58 =	vsel vm12, $0x5, v2;
	vm12 =	vgt.f32 v26, v10;
	v9 =	vor.u32 $0x3, v20  }
0x1cb: {  	s15 =	sadd.s32 $0x12000, s19;
	v41 =	vld [tilespmem:s1+$0x280];
	s19 =	sor.u32 s5, s22;
	s22 =	sor.u32 s5, s17;
	vm13 =	vgt.f32 v25, v60;
	vm14 =	vgt.f32 v52, v63;
	vm15 =	vgt.f32 v54, v53  }
0x1cc: {  	v45 =	vld [tilespmem:s22+$0x0];
	v10 =	vsel vm12, v26, v10;
	v31 =	vsel vm12, v57, v31;
	v25 =	vsel vm13, v25, v60  }
0x1cd: {  	v15 =	vld [tilespmem:s1+$0x100];
	v32 =	vsel vm14, v52, v63;
	v38 =	vsel vm15, v54, v53;
	v60 =	vsel vm13, $0x9, v4  }
0x1ce: {  	s23 =	sor.u32 s4, s15;
	v26 =	vld [tilespmem:s1+$0x200];
	v61 =	vsel vm14, $0xB, v5;
	vm13 =	vgt.f32 v42, v29;
	v62 =	vsel vm15, $0xD, v6  }
0x1cf: {  	[tilespmem:s23+$0x0] =	vst v19;
	vm11 =	vgt.f32 v56, v55;
	v44 =	vsel vm13, v59, v58;
	v29 =	vsel vm13, v42, v29;
	v42 =	vld [tilespmem:s1+$0x380]  }
0x1d0: {  	vm14 =	vgt.f32 v32, v25;
	v19 =	vld.idx.msk [tilespmem:v13+s14+$0x0], $0xffff;
	v40 =	vsel vm11, v56, v55;
	v63 =	vsel vm11, $0xF, v7  }
0x1d1: {  	s7 =	sor.u32 s5, s11;
	v13 =	vld [tilespmem:s1+$0x0];
	v25 =	vsel vm14, v32, v25;
	vm9 =	vgt.f32 v29, v10;
	vm15 =	vgt.f32 v40, v38  }
0x1d2: {  	s11 =	sor.u32 s5, s20;
	v57 =	vsel vm14, v61, v60;
	v10 =	vsel vm9, v29, v10;
	v29 =	vld [tilespmem:s7+$0x0];
	v56 =	vsel vm15, v40, v38  }
0x1d3: {  	s3 =	sor.u32 s5, s18;
	s18 =	simm.s32 $0x400;
	v60 =	vsel vm7, v48, v47;
	v31 =	vsel vm9, v44, v31;
	s7 =	simm.s32 $0x80;
	v44 =	vld [tilespmem:s19+$0x0];
	vm10 =	vgt.f32 v56, v25  }
0x1d4: {  	s10 =	sor.u32 s5, s25;
	s20 =	sand.u32 $0x3FFFFC00, s18;
	v61 =	vsel vm1, $0x5, v2;
	v40 =	vld [tilespmem:s3+$0x0];
	v58 =	vsel vm15, v63, v62;
	s4 =	sand.u32 $0x60, s7;
	v25 =	vsel vm10, v56, v25  }
0x1d5: {  	s13 =	sor.u32 s5, s9;
	s9 =	sadd.s32 $0x8000, s20;
	v62 =	vsel vm2, $0x7, v3;
	s6 =	sor.u32 $0x10, s4;
	vm11 =	vgt.f32 v25, v10;
	v10 =	vsel vm3, v22, v21;
	v21 =	vld [tilespmem:s10+$0x0]  }
0x1d6: {  	v63 =	vsel vm4, $0x9, v4;
	v59 =	vsel vm10, v58, v57;
	s25 =	sor.u32 s6, s9;
	v56 =	vsel vm5, $0xB, v5;
	v25 =	vld [tilespmem:s11+$0x0]  }
0x1d7: {  	v57 =	vsel vm6, $0xD, v6;
	v58 =	vsel vm7, $0xF, v7;
	v32 =	vld [tilespmem:s25+$0x0];
	v22 =	vsel vm11, v59, v31  }
0x1d8: {  	v38 =	vld [tilespmem:s25+$0x80];
	vm8 =	vgt.f32 v10, v39;
	v59 =	vor.u32 $0x3, v11;
	vm7 =	vgt.f32 v45, v44  }
0x1d9: {  	v35 =	vld [tilespmem:s25+$0x100];
	v31 =	vshll.u32 v22, $0x3;
	v22 =	vsel vm2, v28, v24;
	v24 =	vsel vm4, v33, v30  }
0x1da: {  	v52 =	vld [tilespmem:s25+$0x180];
	v30 =	vsel vm6, v37, v36;
	v10 =	vsel vm8, v10, v39;
	vm4 =	vgt.f32 v43, v15  }
0x1db: {  	v34 =	vld [tilespmem:s25+$0x200];
	vm2 =	vgt.f32 v42, v49;
	vm1 =	vgt.f32 v50, v40;
	vm9 =	vgt.f32 v22, v23  }
0x1dc: {  	v47 =	vld [tilespmem:s25+$0x380];
	vm10 =	vgt.f32 v27, v24;
	vm11 =	vgt.f32 v60, v30;
	v22 =	vsel vm9, v22, v23  }
0x1dd: {  	v28 =	vld [tilespmem:s13+$0x0];
	v23 =	vsel vm10, v27, v24;
	v24 =	vsel vm11, v60, v30;
	v27 =	vsel vm0, $0x1, v0  }
0x1de: {  	s10 =	sadd.s32 $0xC080, s20;
	v36 =	vld [tilespmem:s25+$0x280];
	v30 =	vsel vm3, $0x3, v1;
	v60 =	vor.u32 $0x2, v17;
	vm3 =	vgt.f32 v46, v13  }
0x1df: {  	s11 =	sor.u32 s6, s10;
	v37 =	vld [tilespmem:s25+$0x300];
	s13 =	sadd.s32 $0xC000, s20;
	vm0 =	vgt.f32 v22, v10;
	vm12 =	vgt.f32 v24, v23;
	v11 =	vsel vm3, v46, v13  }
0x1e0: {  	s17 =	sadd.s32 $0xC100, s20;
	v54 =	vld [tilespmem:s11+$0x0];
	s3 =	sor.u32 s6, s13;
	vm5 =	vgt.f32 v21, v29;
	v13 =	vsel vm4, v43, v15;
	v15 =	vor.u32 $0x1, v31  }
0x1e1: {  	s18 =	sadd.s32 $0xC180, s20;
	s19 =	sor.u32 s6, s17;
	v53 =	vld [tilespmem:s3+$0x0];
	v10 =	vsel vm0, v22, v10;
	v22 =	vsel vm12, v24, v23;
	v23 =	vsel vm8, v30, v27  }
0x1e2: {  	s22 =	sor.u32 s6, s18;
	v46 =	vld [tilespmem:s19+$0x0];
	v24 =	vsel vm9, v62, v61;
	v27 =	vsel vm10, v56, v63;
	v30 =	vsel vm11, v58, v57  }
0x1e3: {  	s0 =	sor.u32 s30, s0;
	[tilespmem:s12+$0x100] =	vst v14;
	v43 =	vld [tilespmem:s22+$0x0];
	v21 =	vsel vm5, v21, v29;
	v61 =	vsel vm7, $0xF, v7;
	v63 =	vor.u32 $0x2, v31  }
0x1e4: {  	[tilespmem:s0+$0x0] =	vst v12;
	v56 =	vor.u32 $0x3, v17;
	v58 =	vld.idx.msk [tilespmem:v59+s14+$0x0], $0xffff;
	v23 =	vsel vm0, v24, v23;
	vm0 =	vgt.f32 v22, v10  }
0x1e5: {  	v59 =	vld.idx.msk [tilespmem:v16+s14+$0x0], $0xffff;
	v22 =	vsel vm12, v30, v27;
	v30 =	vor.u32 $0x1, v20;
	v10 =	vor.u32 $0x2, v20  }
0x1e6: {  	s25 =	sadd.s32 $0xC200, s20;
	v39 =	vld.idx.msk [tilespmem:v31+s14+$0x0], $0xffff;
	vm6 =	vgt.f32 v28, v25;
	v24 =	vsel vm1, v50, v40;
	vm12 =	vgt.f32 v13, v11  }
0x1e7: {  	s19 =	sor.u32 s6, s25;
	v31 =	vor.u32 $0x3, v31;
	v20 =	vld.idx.msk [tilespmem:v20+s14+$0x0], $0xffff;
	v22 =	vsel vm0, v22, v23;
	vm0 =	vgt.f32 v41, v26  }
0x1e8: {  	[tilespmem:s23+$0x80] =	vst v19;
	s3 =	simm.s32 $0x180;
	s22 =	sadd.s32 $0xC280, s20;
	v23 =	vsel vm2, v42, v49;
	v33 =	vshll.u32 v22, $0x3;
	v22 =	vsel vm0, v41, v26;
	v41 =	vld [tilespmem:s19+$0x0]  }
0x1e9: {  	s11 =	sadd.s32 $0xC300, s20;
	s3 =	sand.u32 $0x3FFFFE00, s3;
	v25 =	vsel vm6, v28, v25;
	v11 =	vsel vm12, v13, v11;
	vm14 =	vgt.f32 v21, v24;
	s19 =	sor.u32 s6, s22;
	v55 =	vld.idx.msk [tilespmem:v60+s14+$0x0], $0xffff  }
0x1ea: {  	s20 =	sadd.s32 $0xC380, s20;
	s1 =	sadd.s32 $0x12000, s3;
	v28 =	vsel vm5, $0xB, v5;
	v29 =	vsel vm6, $0xD, v6;
	v26 =	vsel vm7, v45, v44;
	v40 =	vld [tilespmem:s19+$0x0];
	s19 =	sor.u32 s6, s11  }
0x1eb: {  	s24 =	sor.u32 s24, s1;
	v24 =	vsel vm14, v21, v24;
	vm13 =	vgt.f32 v23, v22;
	vm15 =	vgt.f32 v26, v25;
	v42 =	vld [tilespmem:s19+$0x0];
	s19 =	sor.u32 s6, s20;
	[tilespmem:s0+$0x80] =	vst v59  }
0x1ec: {  	v13 =	vsel vm13, v23, v22;
	v22 =	vsel vm3, $0x1, v0;
	v23 =	vsel vm4, $0x3, v1;
	v44 =	vld [tilespmem:s19+$0x0];
	[tilespmem:s24+$0x0] =	vst v39  }
0x1ed: {  	vm3 =	vgt.f32 v13, v11;
	v27 =	vsel vm12, v23, v22;
	v39 =	vld.idx.msk [tilespmem:v15+s14+$0x0], $0xffff;
	v15 =	vsel vm15, v26, v25  }
0x1ee: {  	s19 =	sor.u32 s4, s9;
	v59 =	vld.idx.msk [tilespmem:v18+s14+$0x0], $0xffff;
	v25 =	vsel vm0, $0x5, v2;
	v26 =	vsel vm2, $0x7, v3;
	v11 =	vsel vm3, v13, v11  }
0x1ef: {  	v21 =	vld [tilespmem:s19+$0x0];
	v13 =	vsel vm1, $0x9, v4;
	vm1 =	vgt.f32 v52, v35;
	vm2 =	vgt.f32 v36, v34  }
0x1f0: {  	v23 =	vld [tilespmem:s19+$0x80];
	vm12 =	vgt.f32 v15, v24;
	v62 =	vsel vm13, v26, v25;
	v13 =	vsel vm14, v28, v13  }
0x1f1: {  	s9 =	sor.u32 s4, s13;
	s13 =	sor.u32 s4, s10;
	v22 =	vld [tilespmem:s19+$0x100];
	v28 =	vsel vm15, v61, v29;
	v35 =	vsel vm1, v52, v35;
	vm13 =	vgt.f32 v54, v53  }
0x1f2: {  	s2 =	sor.u32 s31, s8;
	v16 =	vld [tilespmem:s13+$0x0];
	vm14 =	vgt.f32 v43, v46;
	v34 =	vsel vm2, v36, v34;
	v61 =	vsel vm1, $0x3, v1  }
0x1f3: {  	[tilespmem:s2+$0x0] =	vst v20;
	v25 =	vld [tilespmem:s19+$0x200];
	v52 =	vsel vm2, $0x5, v2;
	v15 =	vsel vm12, v15, v24;
	v29 =	vsel vm3, v62, v27  }
0x1f4: {  	v26 =	vld [tilespmem:s19+$0x280];
	[tilespmem:s23+$0x100] =	vst v55;
	vm3 =	vgt.f32 v47, v37;
	vm15 =	vgt.f32 v40, v41;
	v43 =	vsel vm14, v43, v46  }
0x1f5: {  	v20 =	vld.idx.msk [tilespmem:v33+s14+$0x0], $0xffff;
	v55 =	vsel vm14, $0xB, v5;
	vm0 =	vgt.f32 v15, v11;
	v11 =	vsel vm12, v28, v13;
	[tilespmem:s24+$0x80] =	vst v39  }
0x1f6: {  	v15 =	vor.u32 $0x1, v33;
	v13 =	vor.u32 $0x2, v33;
	v37 =	vsel vm3, v47, v37;
	v57 =	vld.idx.msk [tilespmem:v63+s14+$0x0], $0xffff  }
0x1f7: {  	v62 =	vld.idx.msk [tilespmem:v56+s14+$0x0], $0xffff;
	v40 =	vsel vm15, v40, v41;
	v56 =	vsel vm15, $0xD, v6;
	v49 =	vsel vm0, v11, v29  }
0x1f8: {  	v24 =	vld [tilespmem:s19+$0x180];
	v11 =	vor.u32 $0x3, v33;
	vm0 =	vgt.f32 v38, v32;
	vm1 =	vgt.f32 v37, v34  }
0x1f9: {  	v27 =	vld [tilespmem:s19+$0x300];
	v19 =	vshll.u32 v49, $0x3;
	v32 =	vsel vm0, v38, v32;
	v60 =	vsel vm0, $0x1, v0  }
0x1fa: {  	v28 =	vld [tilespmem:s19+$0x380];
	vm0 =	vgt.f32 v44, v42;
	v34 =	vsel vm1, v37, v34;
	v17 =	vor.u32 $0x1, v19  }
0x1fb: {  	v29 =	vld [tilespmem:s9+$0x0];
	v14 =	vor.u32 $0x2, v19;
	v12 =	vor.u32 $0x3, v19;
	v63 =	vsel vm13, v54, v53;
	[tilespmem:s24+$0x100] =	vst v57  }
0x1fc: {  	[tilespmem:s12+$0x180] =	vst v58;
	v53 =	vsel vm3, $0x7, v3;
	v54 =	vsel vm13, $0x9, v4;
	v58 =	vsel vm0, $0xF, v7;
	v31 =	vld.idx.msk [tilespmem:v31+s14+$0x0], $0xffff  }
0x1fd: {  	s19 =	sor.u32 s4, s17;
	v42 =	vsel vm0, v44, v42;
	vm0 =	vgt.f32 v35, v32;
	vm2 =	vgt.f32 v43, v63;
	v57 =	vld.idx.msk [tilespmem:v30+s14+$0x0], $0xffff  }
0x1fe: {  	s30 =	sor.u32 s4, s22;
	v18 =	vld [tilespmem:s19+$0x0];
	[tilespmem:s0+$0x100] =	vst v59;
	vm3 =	vgt.f32 v42, v40;
	v35 =	vsel vm0, v35, v32;
	v36 =	vsel vm0, v61, v60  }
0x1ff: {  	s8 =	sor.u32 s16, s15;
	[tilespmem:s23+$0x180] =	vst v62;
	s23 =	sor.u32 s4, s18;
	v60 =	vsel vm1, v53, v52;
	v32 =	vld [tilespmem:s30+$0x0];
	v61 =	vsel vm2, v43, v63;
	v62 =	vsel vm3, v42, v40  }
0x200: {  	s25 =	sor.u32 s4, s25;
	[tilespmem:s8+$0x0] =	vst v20;
	v63 =	vsel vm2, v55, v54;
	vm0 =	vgt.f32 v34, v35;
	vm1 =	vgt.f32 v62, v61;
	v30 =	vld [tilespmem:s23+$0x0]  }
0x201: {  	s15 =	simm.s32 $0x8;
	s31 =	sor.u32 s4, s11;
	v41 =	vsel vm3, v58, v56;
	v35 =	vsel vm0, v34, v35;
	v37 =	vsel vm1, v62, v61;
	[tilespmem:s24+$0x180] =	vst v31;
	v31 =	vld [tilespmem:s25+$0x0]  }
0x202: {  	s5 =	sor.u32 s5, s1;
	s1 =	sor.u32 s4, s20;
	s12 =	simm.s32 $0x8;
	v33 =	vld [tilespmem:s31+$0x0];
	v20 =	vsel vm0, v60, v36;
	v34 =	vsel vm1, v41, v63;
	vm1 =	vgt.f32 v37, v35;
	[tilespmem:s2+$0x80] =	vst v57  }
.LBB2_5:
0x203: {  	s15 =	sadd.s32 $0x2, s15;
	v35 =	vld [tilespmem:s1+$0x0];
	vm6 =	vgt.f32 v23, v21;
	vm0 =	vgt.f32 v24, v22;
	v20 =	vsel vm1, v34, v20  }
0x204: {  	vm3 =	vgt.f32 v26, v25;
	vm4 =	vgt.f32 v28, v27;
	s7 =	sadd.s32 $0x20, s7;
	s1 =	sshll.u32 s15, $0x7;
	p0 =	slt.u32 s15, $0x7E;
	v20 =	vshll.u32 v20, $0x3;
	v19 =	vld.idx.msk [tilespmem:v19+s14+$0x0], $0xffff  }
0x205: {  	vm1 =	vgt.f32 v16, v29;
	s9 =	sand.u32 $0x60, s7;
	v21 =	vsel vm6, v23, v21;
	vm2 =	vgt.f32 v30, v18;
	s1 =	sand.u32 $0x3FFFFC00, s1;
	v23 =	vld.idx.msk [tilespmem:v15+s14+$0x0], $0xffff  }
0x206: {  	v22 =	vsel vm0, v24, v22;
	v24 =	vsel vm3, v26, v25;
	s13 =	sor.u32 $0x10, s9;
	s3 =	sadd.s32 $0x8000, s1;
	vm8 =	vgt.f32 v32, v31;
	v25 =	vld.idx.msk [tilespmem:v10+s14+$0x0], $0xffff  }
0x207: {  	v26 =	vsel vm1, v16, v29;
	v10 =	vsel vm4, v28, v27;
	v27 =	vsel vm2, v30, v18;
	s16 =	sor.u32 s9, s3;
	s10 =	sor.u32 s13, s3;
	v8 =	vld.idx.msk [tilespmem:v8+s14+$0x0], $0xffff  }
0x208: {  	vm5 =	vgt.f32 v22, v21;
	v15 =	vmovc v17;
	v29 =	vsel vm8, v32, v31;
	v16 =	vld [tilespmem:s10+$0x0];
	vm11 =	vgt.f32 v35, v33  }
0x209: {  	vm9 =	vgt.f32 v10, v24;
	vm10 =	vgt.f32 v27, v26;
	v17 =	vsel vm11, v35, v33;
	v30 =	vld.idx.msk [tilespmem:v20+s14+$0x0], $0xffff  }
0x20a: {  	v21 =	vsel vm5, v22, v21;
	v22 =	vsel vm9, v10, v24;
	v18 =	vld [tilespmem:s10+$0x80];
	vm7 =	vgt.f32 v17, v29;
	[tilespmem:s5+$0x0] =	vst v19  }
0x20b: {  	s3 =	sshll.u32 s12, $0x6;
	s12 =	smov.u32 s15;
	v24 =	vor.u32 $0x1, v20;
	v10 =	vmovc v13;
	v19 =	vsel vm10, v27, v26;
	v28 =	vld [tilespmem:s10+$0x100];
	v17 =	vsel vm7, v17, v29;
	[tilespmem:s8+$0x80] =	vst v23  }
0x20c: {  	s3 =	sand.u32 $0x3FFFFE00, s3;
	vm12 =	vgt.f32 v22, v21;
	v13 =	vmovc v14;
	v23 =	vsel vm6, $0x1, v0;
	v29 =	vld [tilespmem:s10+$0x180];
	vm6 =	vgt.f32 v17, v19;
	[tilespmem:s2+$0x100] =	vst v25  }
0x20d: {  	v14 =	vsel vm0, $0x3, v1;
	s3 =	sadd.s32 $0x12000, s3;
	v26 =	vsel vm4, $0x7, v3;
	v25 =	vsel vm3, $0x5, v2;
	v31 =	vld [tilespmem:s10+$0x200];
	[tilespmem:s0+$0x180] =	vst v8;
	v8 =	vmovc v9;
	v9 =	vmovc v11;
	s0 =	smov.u32 s2;
	s2 =	smov.u32 s8  }
0x20e: {  	v34 =	vsel vm8, $0xD, v6;
	v33 =	vsel vm2, $0xB, v5;
	v27 =	vsel vm1, $0x9, v4;
	s17 =	sor.u32 s4, s3;
	s11 =	sor.u32 s6, s3;
	s4 =	smov.u32 s9;
	v11 =	vmovc v12;
	v32 =	vld [tilespmem:s10+$0x280]  }
0x20f: {  	v21 =	vsel vm12, v22, v21;
	s6 =	smov.u32 s13;
	v12 =	vsel vm11, $0xF, v7;
	v17 =	vsel vm6, v17, v19;
	s8 =	smov.u32 s5;
	s5 =	smov.u32 s17;
	v35 =	vld [tilespmem:s10+$0x300];
	[tilespmem:s11+$0x0] =	vst v30  }
0x210: {  	s3 =	sadd.s32 $0xC000, s1;
	v22 =	vsel vm10, v33, v27;
	v14 =	vsel vm5, v14, v23;
	v19 =	vsel vm9, v26, v25;
	v23 =	vld.idx.msk [tilespmem:v24+s14+$0x0], $0xffff  }
0x211: {  	s13 =	sadd.s32 $0xC080, s1;
	s9 =	sor.u32 s4, s3;
	s3 =	sor.u32 s6, s3;
	v12 =	vsel vm7, v12, v34;
	v14 =	vsel vm12, v19, v14;
	vm0 =	vgt.f32 v17, v21;
	v30 =	vld [tilespmem:s10+$0x380]  }
0x212: {  	s17 =	sadd.s32 $0xC100, s1;
	v21 =	vor.u32 $0x2, v20;
	v12 =	vsel vm6, v12, v22;
	s10 =	sor.u32 s4, s13;
	v33 =	vld [tilespmem:s3+$0x0];
	s3 =	sor.u32 s6, s13  }
0x213: {  	s18 =	sadd.s32 $0xC180, s1;
	v12 =	vsel vm0, v12, v14;
	s13 =	sor.u32 s4, s17;
	v34 =	vld [tilespmem:s3+$0x0];
	s3 =	sor.u32 s6, s17  }
0x214: {  	s19 =	sadd.s32 $0xC200, s1;
	v19 =	vshll.u32 v12, $0x3;
	s17 =	sor.u32 s4, s18;
	v36 =	vld [tilespmem:s3+$0x0];
	s3 =	sor.u32 s6, s18  }
0x215: {  	v17 =	vor.u32 $0x1, v19;
	v14 =	vor.u32 $0x2, v19;
	v12 =	vor.u32 $0x3, v19;
	s18 =	sor.u32 s4, s19;
	v37 =	vld [tilespmem:s3+$0x0];
	s3 =	sor.u32 s6, s19  }
0x216: {  	s19 =	sadd.s32 $0xC280, s1;
	v38 =	vld [tilespmem:s3+$0x0];
	[tilespmem:s11+$0x80] =	vst v23  }
0x217: {  	s20 =	sor.u32 s4, s19;
	s3 =	sadd.s32 $0xC300, s1;
	s19 =	sor.u32 s6, s19;
	v24 =	vld.idx.msk [tilespmem:v21+s14+$0x0], $0xffff  }
0x218: {  	s23 =	sadd.s32 $0xC380, s1;
	s22 =	sor.u32 s4, s3;
	s3 =	sor.u32 s6, s3;
	v39 =	vld [tilespmem:s19+$0x0]  }
0x219: {  	v20 =	vor.u32 $0x3, v20;
	s1 =	sor.u32 s4, s23;
	v40 =	vld [tilespmem:s3+$0x0];
	s3 =	sor.u32 s6, s23  }
0x21a: {  	v41 =	vld [tilespmem:s3+$0x0]  }
0x21b: {  	v21 =	vld [tilespmem:s16+$0x0]  }
0x21c: {  	vm0 =	vgt.f32 v18, v16;
	v23 =	vld [tilespmem:s16+$0x80]  }
0x21d: {  	vm1 =	vgt.f32 v29, v28;
	vm2 =	vgt.f32 v32, v31;
	vm3 =	vgt.f32 v30, v35;
	v22 =	vld [tilespmem:s16+$0x100];
	[tilespmem:s11+$0x100] =	vst v24  }
0x21e: {  	vm4 =	vgt.f32 v34, v33;
	vm5 =	vgt.f32 v37, v36;
	vm6 =	vgt.f32 v39, v38;
	v20 =	vld.idx.msk [tilespmem:v20+s14+$0x0], $0xffff  }
0x21f: {  	v42 =	vsel vm0, $0x1, v0;
	v43 =	vsel vm1, $0x3, v1;
	v24 =	vld [tilespmem:s16+$0x180];
	vm7 =	vgt.f32 v41, v40  }
0x220: {  	v44 =	vsel vm2, $0x5, v2;
	v45 =	vsel vm3, $0x7, v3;
	v46 =	vsel vm4, $0x9, v4;
	v25 =	vld [tilespmem:s16+$0x200]  }
0x221: {  	v47 =	vsel vm5, $0xB, v5;
	v48 =	vsel vm6, $0xD, v6;
	v49 =	vsel vm7, $0xF, v7;
	v26 =	vld [tilespmem:s16+$0x280]  }
0x222: {  	v50 =	vsel vm0, v18, v16;
	v51 =	vsel vm1, v29, v28;
	v31 =	vsel vm2, v32, v31;
	v27 =	vld [tilespmem:s16+$0x300]  }
0x223: {  	v32 =	vsel vm3, v30, v35;
	v33 =	vsel vm4, v34, v33;
	v34 =	vsel vm5, v37, v36;
	v28 =	vld [tilespmem:s16+$0x380]  }
0x224: {  	vm0 =	vgt.f32 v51, v50;
	v35 =	vsel vm6, v39, v38;
	v36 =	vsel vm7, v41, v40;
	v29 =	vld [tilespmem:s9+$0x0];
	[tilespmem:s11+$0x180] =	vst v20  }
0x225: {  	vm1 =	vgt.f32 v32, v31;
	vm2 =	vgt.f32 v34, v33;
	vm3 =	vgt.f32 v36, v35;
	v16 =	vld [tilespmem:s10+$0x0]  }
.Ltmp3:
0x226: {  	v37 =	vsel vm0, v43, v42;
	v38 =	vsel vm1, v45, v44;
	v20 =	vsel vm0, v51, v50;
	v18 =	vld [tilespmem:s13+$0x0];
	(pc) =	sbr.rel @p0 .LBB2_5-.Ltmp3, $4  }
0x227: {  	v33 =	vsel vm2, v34, v33;
	v39 =	vsel vm1, v32, v31;
	v34 =	vsel vm3, v36, v35;
	v30 =	vld [tilespmem:s17+$0x0]  }
0x228: {  	v35 =	vsel vm2, v47, v46;
	vm1 =	vgt.f32 v34, v33;
	vm0 =	vgt.f32 v39, v20;
	v31 =	vld [tilespmem:s18+$0x0]  }
0x229: {  	v36 =	vsel vm3, v49, v48;
	v40 =	vsel vm1, v34, v33;
	v39 =	vsel vm0, v39, v20;
	v32 =	vld [tilespmem:s20+$0x0]  }
0x22a: {  	v34 =	vsel vm1, v36, v35;
	v20 =	vsel vm0, v38, v37;
	vm1 =	vgt.f32 v40, v39;
	v33 =	vld [tilespmem:s22+$0x0]  }
0x22b: {  	vm0 =	vgt.f32 v23, v21;
	vm2 =	vgt.f32 v24, v22  }
0x22c: {  	v20 =	vsel vm1, v34, v20;
	vm1 =	vgt.f32 v26, v25;
	vm3 =	vgt.f32 v28, v27  }
0x22d: {  	vm4 =	vgt.f32 v16, v29;
	v21 =	vsel vm0, v23, v21;
	vm5 =	vgt.f32 v30, v18  }
0x22e: {  	v35 =	vld [tilespmem:s1+$0x0];
	v22 =	vsel vm2, v24, v22;
	v36 =	vsel vm1, v26, v25;
	v37 =	vsel vm3, v28, v27  }
0x22f: {  	v16 =	vsel vm4, v16, v29;
	v42 =	vsel vm0, $0x1, v0;
	v43 =	vsel vm2, $0x3, v1  }
0x230: {  	v44 =	vsel vm1, $0x5, v2;
	v45 =	vsel vm3, $0x7, v3;
	v46 =	vsel vm4, $0x9, v4  }
0x231: {  	v18 =	vsel vm5, v30, v18;
	vm8 =	vgt.f32 v22, v21;
	vm9 =	vgt.f32 v37, v36  }
0x232: {  	v47 =	vsel vm5, $0xB, v5;
	vm6 =	vgt.f32 v32, v31;
	vm10 =	vgt.f32 v18, v16  }
0x233: {  	v21 =	vsel vm8, v22, v21;
	v40 =	vsel vm9, v37, v36;
	vm7 =	vgt.f32 v35, v33  }
0x234: {  	v50 =	vsel vm8, v43, v42;
	v38 =	vsel vm6, v32, v31;
	v39 =	vsel vm7, v35, v33  }
0x235: {  	v51 =	vsel vm9, v45, v44;
	v16 =	vsel vm10, v18, v16;
	vm11 =	vgt.f32 v39, v38  }
0x236: {  	vm0 =	vgt.f32 v40, v21;
	v48 =	vsel vm6, $0xD, v6;
	v41 =	vsel vm11, v39, v38  }
0x237: {  	v52 =	vsel vm10, v47, v46;
	v49 =	vsel vm7, $0xF, v7;
	vm12 =	vgt.f32 v41, v16  }
0x238: {  	v21 =	vsel vm0, v40, v21;
	v53 =	vsel vm11, v49, v48;
	v16 =	vsel vm12, v41, v16  }
0x239: {  	v18 =	vsel vm0, v51, v50;
	v54 =	vsel vm12, v53, v52;
	vm15 =	vgt.f32 v16, v21  }
0x23a: {  	v20 =	vshll.u32 v20, $0x3;
	v16 =	vsel vm15, v54, v18  }
0x23b: {  	v16 =	vshll.u32 v16, $0x3;
	_ =	sdelay $0x2  }
0x23c: {  	v19 =	vld.idx.msk [tilespmem:v19+s14+$0x0], $0xffff  }
0x23d: {  	v55 =	vld.idx.msk [tilespmem:v20+s14+$0x0], $0xffff  }
0x23e: {  	s30 =	sshll.u32 s12, $0x6;
	v56 =	vor.u32 $0x1, v20;
	v57 =	vld.idx.msk [tilespmem:v16+s14+$0x0], $0xffff  }
0x23f: {  	s1 =	sand.u32 $0x3FFFFE00, s30;
	v58 =	vor.u32 $0x1, v16  }
0x240: {  	s1 =	sadd.s32 $0x12000, s1  }
0x241: {  	v15 =	vld.idx.msk [tilespmem:v15+s14+$0x0], $0xffff;
	s3 =	sor.u32 s6, s1;
	[tilespmem:s5+$0x0] =	vst v19  }
0x242: {  	s1 =	sor.u32 s4, s1;
	v17 =	vld.idx.msk [tilespmem:v17+s14+$0x0], $0xffff;
	[tilespmem:s3+$0x0] =	vst v55  }
0x243: {  	v21 =	vld.idx.msk [tilespmem:v56+s14+$0x0], $0xffff;
	[tilespmem:s1+$0x0] =	vst v57  }
0x244: {  	v59 =	vor.u32 $0x2, v20;
	v18 =	vld.idx.msk [tilespmem:v58+s14+$0x0], $0xffff  }
0x245: {  	v60 =	vor.u32 $0x2, v16  }
0x246: {  	v10 =	vld.idx.msk [tilespmem:v10+s14+$0x0], $0xffff;
	[tilespmem:s8+$0x80] =	vst v15  }
0x247: {  	v13 =	vld.idx.msk [tilespmem:v13+s14+$0x0], $0xffff;
	[tilespmem:s5+$0x80] =	vst v17  }
0x248: {  	v14 =	vld.idx.msk [tilespmem:v14+s14+$0x0], $0xffff;
	[tilespmem:s3+$0x80] =	vst v21  }
0x249: {  	v21 =	vld.idx.msk [tilespmem:v59+s14+$0x0], $0xffff;
	[tilespmem:s1+$0x80] =	vst v18  }
0x24a: {  	v61 =	vor.u32 $0x3, v20;
	v62 =	vld.idx.msk [tilespmem:v60+s14+$0x0], $0xffff  }
0x24b: {  	v8 =	vld.idx.msk [tilespmem:v8+s14+$0x0], $0xffff;
	[tilespmem:s2+$0x100] =	vst v10;
	v16 =	vor.u32 $0x3, v16  }
0x24c: {  	v9 =	vld.idx.msk [tilespmem:v9+s14+$0x0], $0xffff;
	[tilespmem:s8+$0x100] =	vst v13  }
0x24d: {  	v11 =	vld.idx.msk [tilespmem:v11+s14+$0x0], $0xffff;
	[tilespmem:s5+$0x100] =	vst v14  }
0x24e: {  	v12 =	vld.idx.msk [tilespmem:v12+s14+$0x0], $0xffff;
	[tilespmem:s3+$0x100] =	vst v21  }
0x24f: {  	v63 =	vld.idx.msk [tilespmem:v61+s14+$0x0], $0xffff;
	[tilespmem:s1+$0x100] =	vst v62  }
0x250: {  	[tilespmem:s0+$0x180] =	vst v8;
	v8 =	vld.idx.msk [tilespmem:v16+s14+$0x0], $0xffff  }
0x251: {  	[tilespmem:s2+$0x180] =	vst v9  }
0x252: {  	[tilespmem:s8+$0x180] =	vst v11  }
0x253: {  	[tilespmem:s5+$0x180] =	vst v12  }
.Ltmp4:
0x254: {  	[tilespmem:s3+$0x180] =	vst v63;
	(pc) =	sbr.rel @p1 .LBB2_8-.Ltmp4, $4  }
0x255: {  	[tilespmem:s1+$0x180] =	vst v8  }
0x256: {  	s0 =	rddreg [dreg:$0xd]  }
0x257: {  	s19 =	simm.s32 $0x0;
	s31 =	simm.s32 $0x12000;
	s0 =	sadd.s32 s0, s29  }
0x258: {  	[hbm4b:s0+s19] =	stream.linear.scatter [tilespmem:s31], [sflag:$0x4], $0x2000, $0x38;
	[tilespmem:$0x14080] =	vst v63  }
0x259: {  	s0 =	rddreg [dreg:$0xb]  }
0x25a: {  	s0 =	sadd.s32 s28, s0  }
.Ltmp5:
0x25b: {  	s1 =	rddreg [dreg:$0x0];
	s0 =	sshrl.u32 s0, $0x3;
	(pc) =	sbr.rel .LBB2_2-.Ltmp5, $4  }
0x25c: {  	s30 =	simm.s32 $0x8000;
	s0 =	sadd.s32 s1, s0  }
0x25d: {  	[tilespmem:s30], [sflag:$0x2] =	stream.linear.gather [hbm4b:s0+s19], $0x4000, $0x38;
	[tilespmem:$0x14080] =	vst v63  }
0x25e: {  	s31 =	simm.s32 $0xC000;
	s26 =	sadd.s32 $0x1, s26;
	s0 =	sadd.s32 $0x100000, s0  }
0x25f: {  	[tilespmem:s31], [sflag:$0x2] =	stream.linear.gather [hbm4b:s0+s19], $0x4000, $0x38;
	[tilespmem:$0x14080] =	vst v63  }
.LBB2_9:
0x260: {  	_ =	sfence.sel $0x180000  }
0x261: {  	[bflag:$0x0] =	sbarrier.arrive $0xFFFF  }
0x262: {  	_ =	strace $0x90000047  }
0x263: {  	s0 =	stileid.u32;
	[bflag:$0x2] =	sbarrier.arrive $0xFFFF  }
0x264: {  	p0 =	sne.s32 s0, $0x0;
	s0 =	rddreg [dreg:$0x3]  }
0x265: {  	s0 =	sadd.s32 @!p0 $0x100000, s0  }
0x266: {  	[sflag:s0] =	ssyncadd.tile.s32 @!p0 $0x1;
	_ =	shalt  }
.Lfunc_end2:
_tile_overlayer_lowered:
.L_overlay_start_2:
0x267: {  	(tag) =	ssettag $0x2  }
0x268: {  	s0 =	rddreg [dreg:$0x0];
	s2 =	stileid.u32  }
0x269: {  	s1 =	rddreg [dreg:$0x1];
	p0 =	sne.s32 s2, $0x0  }
0x26a: {  	s3 =	rddreg [dreg:$0x2];
	[bflag:$0x3] =	sbarrier.arrive $0xFFFF;
	s2 =	simm.s32 @!p0 $0x1C05  }
0x26b: {  	[timem:s3], [sflag:s2] =	dma.local @!p0 [hbm:s0], s1  }
0x26c: {  	s0 =	simm.s32 @!p0 $0x5  }
0x26d: {  	_ =	swait.ge @!p0 [sflag:s0], s1  }
0x26e: {  	s1 =	ssub.s32 @!p0 $0x0, s1;
	[sflag:s0] =	ssyncset.done @!p0 $0x0  }
0x26f: {  	[sflag:s0] =	ssyncadd.s32 @!p0 s1  }
0x270: {  	[bflag:$0x3] =	sbarrier.arrive $0xFFFF  }
0x271: {  	_ =	shalt  }

</sc_bundles>
